<compile_context>
chip_gen: v7x
topology: tpu7x:2x2x1
jax: 0.10.2.dev20260603
libtpu: 0.0.44.dev20260713+nightly
codegen_flags: <defaults>
</compile_context>

<pallas_src>
import jax
import jax.numpy as jnp
from jax import lax
from jax.experimental import pallas as pl
from jax.experimental.pallas import tpu as pltpu
from jax.experimental.pallas import tpu_sc as plsc

_B = 4
_N = 4096
_NW = 32
_RPW = 512
_WPB = 8
_L = 16
_NCH = _N // _L


def _sc_body(x_hbm, y_hbm, rowsum_hbm, colmin_hbm,
             xb0, xb1, xb2, nxv,
             yb0, yb1, yb2, nyv,
             colv, rsv):
    c = lax.axis_index("c")
    s = lax.axis_index("s")
    w = s * 2 + c
    b = w // _WPB
    r0 = (w % _WPB) * _RPW

    xbase = b * 3 * _N + r0
    ybase = b * 3 * _N
    pltpu.sync_copy(x_hbm.at[pl.ds(xbase, _RPW)], xb0.at[pl.ds(0, _RPW)])
    pltpu.sync_copy(x_hbm.at[pl.ds(xbase + _N, _RPW)], xb1.at[pl.ds(0, _RPW)])
    pltpu.sync_copy(x_hbm.at[pl.ds(xbase + 2 * _N, _RPW)], xb2.at[pl.ds(0, _RPW)])
    pltpu.sync_copy(y_hbm.at[pl.ds(ybase, _N)], yb0)
    pltpu.sync_copy(y_hbm.at[pl.ds(ybase + _N, _N)], yb1)
    pltpu.sync_copy(y_hbm.at[pl.ds(ybase + 2 * _N, _N)], yb2)

    f32 = jnp.float32

    def bf16_round(v):
        bits = lax.bitcast_convert_type(v, jnp.int32)
        bits = bits + jnp.int32(0x7FFF) + ((bits >> 16) & jnp.int32(1))
        bits = bits & jnp.int32(-65536)
        return lax.bitcast_convert_type(bits, f32)

    def prep_col(i, carry):
        sl = pl.ds(i * _L, _L)
        v0 = yb0[sl]
        v1 = yb1[sl]
        v2 = yb2[sl]
        nyv[sl] = v0 * v0 + v1 * v1 + v2 * v2
        yb0[sl] = bf16_round(v0)
        yb1[sl] = bf16_round(v1)
        yb2[sl] = bf16_round(v2)
        colv[sl] = jnp.full((_L,), jnp.inf, dtype=f32)
        return carry

    lax.fori_loop(0, _NCH, prep_col, 0, unroll=4)

    def prep_row(i, carry):
        sl = pl.ds(i * _L, _L)
        v0 = xb0[sl]
        v1 = xb1[sl]
        v2 = xb2[sl]
        nxv[sl] = v0 * v0 + v1 * v1 + v2 * v2
        xb0[sl] = bf16_round(v0)
        xb1[sl] = bf16_round(v1)
        xb2[sl] = bf16_round(v2)
        return carry

    lax.fori_loop(0, _RPW // _L, prep_row, 0, unroll=4)

    xb0[pl.ds(_RPW, _L)] = jnp.zeros((_L,), dtype=f32)
    xb1[pl.ds(_RPW, _L)] = jnp.zeros((_L,), dtype=f32)
    xb2[pl.ds(_RPW, _L)] = jnp.zeros((_L,), dtype=f32)
    nxv[pl.ds(_RPW, _L)] = jnp.zeros((_L,), dtype=f32)

    def row_step(i, row_sum):
        bx0 = xb0[pl.ds(i, _L)][0]
        bx1 = xb1[pl.ds(i, _L)][0]
        bx2 = xb2[pl.ds(i, _L)][0]
        nx = nxv[pl.ds(i, _L)][0]

        def col_step(j, racc):
            sl = pl.ds(j * _L, _L)
            t = yb0[sl] * bx0
            t = t + yb1[sl] * bx1
            t = t + yb2[sl] * bx2
            e = nyv[sl] - 2.0 * t
            racc = jnp.minimum(racc, e)
            colv[sl] = jnp.minimum(colv[sl], e + nx)
            return racc

        racc = lax.fori_loop(
            0, _NCH, col_step,
            jnp.full((_L,), jnp.inf, dtype=f32), unroll=4,
        )
        dnums = lax.GatherDimensionNumbers(
            offset_dims=(), collapsed_slice_dims=(0,), start_index_map=(0,)
        )
        for sh in (8, 4, 2, 1):
            idx = (lax.iota(jnp.int32, _L) ^ sh).reshape(_L, 1)
            perm = lax.gather(
                racc, idx, dimension_numbers=dnums, slice_sizes=(1,),
                mode=lax.GatherScatterMode.PROMISE_IN_BOUNDS,
            )
            racc = jnp.minimum(racc, perm)
        return row_sum + (nx + racc[0])

    row_sum = lax.fori_loop(0, _RPW, row_step, jnp.float32(0.0))

    lane0 = lax.iota(jnp.int32, _L) == 0
    rsv[...] = jnp.where(lane0, row_sum, jnp.float32(0.0))
    pltpu.sync_copy(rsv, rowsum_hbm.at[pl.ds(w * _L, _L)])
    pltpu.sync_copy(colv, colmin_hbm.at[pl.ds(w * _N, _N)])


def _finish_body(rowsum_ref, colmin_ref, out_ref):
    total = jnp.sum(rowsum_ref[...])
    for b in range(_B):
        part = colmin_ref[b * _WPB * _N:(b * _WPB + 1) * _N]
        for k in range(1, _WPB):
            lo = (b * _WPB + k) * _N
            part = jnp.minimum(part, colmin_ref[lo:lo + _N])
        total = total + jnp.sum(part)
    out_ref[0, 0] = total * jnp.float32(1.0 / (2.0 * _B * _N))


def kernel(in_pc, target_pc):
    mesh = plsc.VectorSubcoreMesh(core_axis_name="c", subcore_axis_name="s")
    rowsum, colmin = pl.kernel(
        _sc_body,
        mesh=mesh,
        out_type=[
            jax.ShapeDtypeStruct((_NW * _L,), jnp.float32),
            jax.ShapeDtypeStruct((_NW * _N,), jnp.float32),
        ],
        scratch_types=[
            pltpu.VMEM((_RPW + _L,), jnp.float32),
            pltpu.VMEM((_RPW + _L,), jnp.float32),
            pltpu.VMEM((_RPW + _L,), jnp.float32),
            pltpu.VMEM((_RPW + _L,), jnp.float32),
            pltpu.VMEM((_N,), jnp.float32),
            pltpu.VMEM((_N,), jnp.float32),
            pltpu.VMEM((_N,), jnp.float32),
            pltpu.VMEM((_N,), jnp.float32),
            pltpu.VMEM((_N,), jnp.float32),
            pltpu.VMEM((_L,), jnp.float32),
        ],
    )(in_pc.reshape(-1), target_pc.reshape(-1))

    total = pl.pallas_call(
        _finish_body,
        out_specs=pl.BlockSpec(memory_space=pltpu.SMEM),
        out_shape=jax.ShapeDtypeStruct((1, 1), jnp.float32),
    )(rowsum, colmin)
    return total[0, 0]

# --- scband reference (transcript-rebuilt; emitter-appended) ---
"""Pipeline reference for scband-chamfer-loss-29068338659681 (READ-ONLY COPY).

The authoritative reference and input builder live on the scoring server;
editing this copy changes nothing except your own understanding.
"""

import jax, jax.numpy as jnp
import numpy as np


def setup_inputs(seed: int = 0) -> dict:
    key = jax.random.key(seed)
    k1, k2 = jax.random.split(key)
    in_pc = jax.random.normal(k1, (4, 3, 4096), dtype=jnp.float32)
    target_pc = jax.random.normal(k2, (4, 3, 4096), dtype=jnp.float32)
    return {"in_pc": in_pc, "target_pc": target_pc}


def square_distance(src, dst):
    # src: [B, N, C], dst: [B, M, C]
    dist = -2.0 * jnp.matmul(src, jnp.transpose(dst, (0, 2, 1)))
    dist = dist + jnp.sum(src ** 2, axis=-1)[:, :, None]
    dist = dist + jnp.sum(dst ** 2, axis=-1)[:, None, :]
    return dist


def reference(in_pc, target_pc):
    # in_pc, target_pc: [B, C, N]
    pc1 = jnp.transpose(in_pc, (0, 2, 1))   # [B, N, C]
    pc2 = jnp.transpose(target_pc, (0, 2, 1))  # [B, M, C]
    sqrdist12 = square_distance(pc1, pc2)   # [B, N, M]
    # torch.topk(k=1, largest=False) == min; implemented via lax.top_k on negated dists
    neg1, _ = jax.lax.top_k(-sqrdist12, 1)            # min over dim -1 -> [B, N, 1]
    dist1 = -neg1[..., 0]                              # [B, N]
    neg2, _ = jax.lax.top_k(-jnp.transpose(sqrdist12, (0, 2, 1)), 1)  # min over dim 1 -> [B, M, 1]
    dist2 = -neg2[..., 0]                              # [B, M]
    m_dist = (dist1 + dist2) / 2.0
    return jnp.mean(m_dist)

if __name__ == "__main__":
    import jax
    _d = setup_inputs()
    print(jax.jit(kernel)(*tuple(_d.values())))

</pallas_src>

<mosaic_0001>
#map = affine_map<(d0, d1) -> (0)>
module attributes {stable_mosaic.version = 14 : i64} {
  func.func @_sc_body(%arg0: i32, %arg1: i32, %arg2: memref<49152xf32, #tpu.memory_space<hbm>>, %arg3: memref<49152xf32, #tpu.memory_space<hbm>>, %arg4: memref<512xf32, #tpu.memory_space<hbm>>, %arg5: memref<131072xf32, #tpu.memory_space<hbm>>, %arg6: memref<528xf32, #tpu.memory_space<vmem>>, %arg7: memref<528xf32, #tpu.memory_space<vmem>>, %arg8: memref<528xf32, #tpu.memory_space<vmem>>, %arg9: memref<528xf32, #tpu.memory_space<vmem>>, %arg10: memref<4096xf32, #tpu.memory_space<vmem>>, %arg11: memref<4096xf32, #tpu.memory_space<vmem>>, %arg12: memref<4096xf32, #tpu.memory_space<vmem>>, %arg13: memref<4096xf32, #tpu.memory_space<vmem>>, %arg14: memref<4096xf32, #tpu.memory_space<vmem>>, %arg15: memref<16xf32, #tpu.memory_space<vmem>>) attributes {dimension_semantics = [#tpu.dimension_semantics<core_parallel>, #tpu.dimension_semantics<subcore_parallel>], iteration_bounds = array<i64: 2, 16>, scalar_prefetch = 0 : i64, scratch_operands = 10 : i64, tpu.core_type = #tpu.core_type<sc_vector_subcore>, window_params = [{transform_indices = #map}, {transform_indices = #map}, {transform_indices = #map}, {transform_indices = #map}]} {
    %mul3A = arith.constant 2 : i32
    %mul3A_0 = arith.muli %arg1, %mul3A : i32
    %add3A = arith.addi %mul3A_0, %arg0 : i32
    %jit3A = arith.constant 8 : i32
    %div3A = arith.divsi %add3A, %jit3A : i32
    %sign3A = arith.constant 0 : i32
    %sign3A_1 = arith.cmpi sgt, %add3A, %sign3A : i32
    %sign3A_2 = arith.extui %sign3A_1 : i1 to i32
    %sign3A_3 = arith.constant 0 : i32
    %sign3A_4 = arith.cmpi slt, %add3A, %sign3A_3 : i32
    %sign3A_5 = arith.extui %sign3A_4 : i1 to i32
    %sign3A_6 = arith.subi %sign3A_2, %sign3A_5 : i32
    %sign3A_7 = arith.constant 0 : i32
    %sign3A_8 = arith.cmpi sgt, %jit3A, %sign3A_7 : i32
    %sign3A_9 = arith.extui %sign3A_8 : i1 to i32
    %sign3A_10 = arith.constant 0 : i32
    %sign3A_11 = arith.cmpi slt, %jit3A, %sign3A_10 : i32
    %sign3A_12 = arith.extui %sign3A_11 : i1 to i32
    %sign3A_13 = arith.subi %sign3A_9, %sign3A_12 : i32
    %ne3A = arith.cmpi ne, %sign3A_6, %sign3A_13 : i32
    %rem3A = arith.remsi %add3A, %jit3A : i32
    %ne3A_14 = arith.constant 0 : i32
    %ne3A_15 = arith.cmpi ne, %rem3A, %ne3A_14 : i32
    %and3A = arith.andi %ne3A, %ne3A_15 : i1
    %sub3A = arith.constant 1 : i32
    %sub3A_16 = arith.subi %div3A, %sub3A : i32
    %select_n3A = arith.select %and3A, %sub3A_16, %div3A : i32
    %jit3A_17 = arith.constant 8 : i32
    %eq3A = arith.constant 0 : i32
    %eq3A_18 = arith.cmpi eq, %jit3A_17, %eq3A : i32
    %jit3A_19 = arith.constant 1 : i32
    %select_n3A_20 = arith.select %eq3A_18, %jit3A_19, %jit3A_17 : i32
    %rem3A_21 = arith.remsi %add3A, %select_n3A_20 : i32
    %ne3A_22 = arith.constant 0 : i32
    %ne3A_23 = arith.cmpi ne, %rem3A_21, %ne3A_22 : i32
    %lt3A = arith.constant 0 : i32
    %lt3A_24 = arith.cmpi slt, %rem3A_21, %lt3A : i32
    %lt3A_25 = arith.constant 0 : i32
    %lt3A_26 = arith.cmpi slt, %select_n3A_20, %lt3A_25 : i32
    %ne3A_27 = arith.xori %lt3A_24, %lt3A_26 : i1
    %and3A_28 = arith.andi %ne3A_27, %ne3A_23 : i1
    %add3A_29 = arith.addi %rem3A_21, %select_n3A_20 : i32
    %select_n3A_30 = arith.select %and3A_28, %add3A_29, %rem3A_21 : i32
    %mul3A_31 = arith.constant 512 : i32
    %mul3A_32 = arith.muli %select_n3A_30, %mul3A_31 : i32
    %mul3A_33 = arith.constant 3 : i32
    %mul3A_34 = arith.muli %select_n3A, %mul3A_33 : i32
    %mul3A_35 = arith.constant 4096 : i32
    %mul3A_36 = arith.muli %mul3A_34, %mul3A_35 : i32
    %add3A_37 = arith.addi %mul3A_36, %mul3A_32 : i32
    %mul3A_38 = arith.constant 3 : i32
    %mul3A_39 = arith.muli %select_n3A, %mul3A_38 : i32
    %mul3A_40 = arith.constant 4096 : i32
    %mul3A_41 = arith.muli %mul3A_39, %mul3A_40 : i32
    "tpu.region"() ({
      %run_scoped3A = tpu.sem_alloc : memref<!tpu.dma_semaphore, #tpu.memory_space<semaphore_mem>>
      %dma_start3A = arith.constant 0 : i32
      %dma_start3A_105 = tpu.memref_slice %arg6[%dma_start3A] : memref<528xf32, #tpu.memory_space<vmem>> -> memref<512xf32, #tpu.memory_space<vmem>>
      %dma_start3A_106 = tpu.memref_slice %arg2[%add3A_37] : memref<49152xf32, #tpu.memory_space<hbm>> -> memref<512xf32, #tpu.memory_space<hbm>>
      %dma_start3A_107 = arith.constant 0 : i32
      %dma_start3A_108 = tpu.memref_slice %arg6[%dma_start3A_107] : memref<528xf32, #tpu.memory_space<vmem>> -> memref<512xf32, #tpu.memory_space<vmem>>
      %dma_start3A_109 = tpu.memref_slice %arg2[%add3A_37] : memref<49152xf32, #tpu.memory_space<hbm>> -> memref<512xf32, #tpu.memory_space<hbm>>
      tpu.enqueue_dma source(%dma_start3A_109 : memref<512xf32, #tpu.memory_space<hbm>>) target(%dma_start3A_108 : memref<512xf32, #tpu.memory_space<vmem>>) target_semaphore(%run_scoped3A : memref<!tpu.dma_semaphore, #tpu.memory_space<semaphore_mem>>)
      %dma_wait3A = arith.constant 0 : i32
      %dma_wait3A_110 = tpu.memref_slice %arg6[%dma_wait3A] : memref<528xf32, #tpu.memory_space<vmem>> -> memref<512xf32, #tpu.memory_space<vmem>>
      %dma_wait3A_111 = tpu.memref_slice %arg2[%add3A_37] : memref<49152xf32, #tpu.memory_space<hbm>> -> memref<512xf32, #tpu.memory_space<hbm>>
      %dma_wait3A_112 = arith.constant 0 : i32
      %dma_wait3A_113 = tpu.memref_slice %arg6[%dma_wait3A_112] : memref<528xf32, #tpu.memory_space<vmem>> -> memref<512xf32, #tpu.memory_space<vmem>>
      %dma_wait3A_114 = tpu.memref_slice %arg2[%add3A_37] : memref<49152xf32, #tpu.memory_space<hbm>> -> memref<512xf32, #tpu.memory_space<hbm>>
      tpu.wait_dma2 semaphore(%run_scoped3A : memref<!tpu.dma_semaphore, #tpu.memory_space<semaphore_mem>>) src(%dma_wait3A_114 : memref<512xf32, #tpu.memory_space<hbm>>) dst(%dma_wait3A_113 : memref<512xf32, #tpu.memory_space<vmem>>)
      tpu.yield
    }) : () -> ()
    %add3A_42 = arith.constant 4096 : i32
    %add3A_43 = arith.addi %add3A_37, %add3A_42 : i32
    "tpu.region"() ({
      %run_scoped3A = tpu.sem_alloc : memref<!tpu.dma_semaphore, #tpu.memory_space<semaphore_mem>>
      %dma_start3A = arith.constant 0 : i32
      %dma_start3A_105 = tpu.memref_slice %arg7[%dma_start3A] : memref<528xf32, #tpu.memory_space<vmem>> -> memref<512xf32, #tpu.memory_space<vmem>>
      %dma_start3A_106 = tpu.memref_slice %arg2[%add3A_43] : memref<49152xf32, #tpu.memory_space<hbm>> -> memref<512xf32, #tpu.memory_space<hbm>>
      %dma_start3A_107 = arith.constant 0 : i32
      %dma_start3A_108 = tpu.memref_slice %arg7[%dma_start3A_107] : memref<528xf32, #tpu.memory_space<vmem>> -> memref<512xf32, #tpu.memory_space<vmem>>
      %dma_start3A_109 = tpu.memref_slice %arg2[%add3A_43] : memref<49152xf32, #tpu.memory_space<hbm>> -> memref<512xf32, #tpu.memory_space<hbm>>
      tpu.enqueue_dma source(%dma_start3A_109 : memref<512xf32, #tpu.memory_space<hbm>>) target(%dma_start3A_108 : memref<512xf32, #tpu.memory_space<vmem>>) target_semaphore(%run_scoped3A : memref<!tpu.dma_semaphore, #tpu.memory_space<semaphore_mem>>)
      %dma_wait3A = arith.constant 0 : i32
      %dma_wait3A_110 = tpu.memref_slice %arg7[%dma_wait3A] : memref<528xf32, #tpu.memory_space<vmem>> -> memref<512xf32, #tpu.memory_space<vmem>>
      %dma_wait3A_111 = tpu.memref_slice %arg2[%add3A_43] : memref<49152xf32, #tpu.memory_space<hbm>> -> memref<512xf32, #tpu.memory_space<hbm>>
      %dma_wait3A_112 = arith.constant 0 : i32
      %dma_wait3A_113 = tpu.memref_slice %arg7[%dma_wait3A_112] : memref<528xf32, #tpu.memory_space<vmem>> -> memref<512xf32, #tpu.memory_space<vmem>>
      %dma_wait3A_114 = tpu.memref_slice %arg2[%add3A_43] : memref<49152xf32, #tpu.memory_space<hbm>> -> memref<512xf32, #tpu.memory_space<hbm>>
      tpu.wait_dma2 semaphore(%run_scoped3A : memref<!tpu.dma_semaphore, #tpu.memory_space<semaphore_mem>>) src(%dma_wait3A_114 : memref<512xf32, #tpu.memory_space<hbm>>) dst(%dma_wait3A_113 : memref<512xf32, #tpu.memory_space<vmem>>)
      tpu.yield
    }) : () -> ()
    %add3A_44 = arith.constant 8192 : i32
    %add3A_45 = arith.addi %add3A_37, %add3A_44 : i32
    "tpu.region"() ({
      %run_scoped3A = tpu.sem_alloc : memref<!tpu.dma_semaphore, #tpu.memory_space<semaphore_mem>>
      %dma_start3A = arith.constant 0 : i32
      %dma_start3A_105 = tpu.memref_slice %arg8[%dma_start3A] : memref<528xf32, #tpu.memory_space<vmem>> -> memref<512xf32, #tpu.memory_space<vmem>>
      %dma_start3A_106 = tpu.memref_slice %arg2[%add3A_45] : memref<49152xf32, #tpu.memory_space<hbm>> -> memref<512xf32, #tpu.memory_space<hbm>>
      %dma_start3A_107 = arith.constant 0 : i32
      %dma_start3A_108 = tpu.memref_slice %arg8[%dma_start3A_107] : memref<528xf32, #tpu.memory_space<vmem>> -> memref<512xf32, #tpu.memory_space<vmem>>
      %dma_start3A_109 = tpu.memref_slice %arg2[%add3A_45] : memref<49152xf32, #tpu.memory_space<hbm>> -> memref<512xf32, #tpu.memory_space<hbm>>
      tpu.enqueue_dma source(%dma_start3A_109 : memref<512xf32, #tpu.memory_space<hbm>>) target(%dma_start3A_108 : memref<512xf32, #tpu.memory_space<vmem>>) target_semaphore(%run_scoped3A : memref<!tpu.dma_semaphore, #tpu.memory_space<semaphore_mem>>)
      %dma_wait3A = arith.constant 0 : i32
      %dma_wait3A_110 = tpu.memref_slice %arg8[%dma_wait3A] : memref<528xf32, #tpu.memory_space<vmem>> -> memref<512xf32, #tpu.memory_space<vmem>>
      %dma_wait3A_111 = tpu.memref_slice %arg2[%add3A_45] : memref<49152xf32, #tpu.memory_space<hbm>> -> memref<512xf32, #tpu.memory_space<hbm>>
      %dma_wait3A_112 = arith.constant 0 : i32
      %dma_wait3A_113 = tpu.memref_slice %arg8[%dma_wait3A_112] : memref<528xf32, #tpu.memory_space<vmem>> -> memref<512xf32, #tpu.memory_space<vmem>>
      %dma_wait3A_114 = tpu.memref_slice %arg2[%add3A_45] : memref<49152xf32, #tpu.memory_space<hbm>> -> memref<512xf32, #tpu.memory_space<hbm>>
      tpu.wait_dma2 semaphore(%run_scoped3A : memref<!tpu.dma_semaphore, #tpu.memory_space<semaphore_mem>>) src(%dma_wait3A_114 : memref<512xf32, #tpu.memory_space<hbm>>) dst(%dma_wait3A_113 : memref<512xf32, #tpu.memory_space<vmem>>)
      tpu.yield
    }) : () -> ()
    "tpu.region"() ({
      %run_scoped3A = tpu.sem_alloc : memref<!tpu.dma_semaphore, #tpu.memory_space<semaphore_mem>>
      %dma_start3A = tpu.memref_slice %arg3[%mul3A_41] : memref<49152xf32, #tpu.memory_space<hbm>> -> memref<4096xf32, #tpu.memory_space<hbm>>
      %dma_start3A_105 = tpu.memref_slice %arg3[%mul3A_41] : memref<49152xf32, #tpu.memory_space<hbm>> -> memref<4096xf32, #tpu.memory_space<hbm>>
      tpu.enqueue_dma source(%dma_start3A_105 : memref<4096xf32, #tpu.memory_space<hbm>>) target(%arg10 : memref<4096xf32, #tpu.memory_space<vmem>>) target_semaphore(%run_scoped3A : memref<!tpu.dma_semaphore, #tpu.memory_space<semaphore_mem>>)
      %dma_wait3A = tpu.memref_slice %arg3[%mul3A_41] : memref<49152xf32, #tpu.memory_space<hbm>> -> memref<4096xf32, #tpu.memory_space<hbm>>
      %dma_wait3A_106 = tpu.memref_slice %arg3[%mul3A_41] : memref<49152xf32, #tpu.memory_space<hbm>> -> memref<4096xf32, #tpu.memory_space<hbm>>
      tpu.wait_dma2 semaphore(%run_scoped3A : memref<!tpu.dma_semaphore, #tpu.memory_space<semaphore_mem>>) src(%dma_wait3A_106 : memref<4096xf32, #tpu.memory_space<hbm>>) dst(%arg10 : memref<4096xf32, #tpu.memory_space<vmem>>)
      tpu.yield
    }) : () -> ()
    %add3A_46 = arith.constant 4096 : i32
    %add3A_47 = arith.addi %mul3A_41, %add3A_46 : i32
    "tpu.region"() ({
      %run_scoped3A = tpu.sem_alloc : memref<!tpu.dma_semaphore, #tpu.memory_space<semaphore_mem>>
      %dma_start3A = tpu.memref_slice %arg3[%add3A_47] : memref<49152xf32, #tpu.memory_space<hbm>> -> memref<4096xf32, #tpu.memory_space<hbm>>
      %dma_start3A_105 = tpu.memref_slice %arg3[%add3A_47] : memref<49152xf32, #tpu.memory_space<hbm>> -> memref<4096xf32, #tpu.memory_space<hbm>>
      tpu.enqueue_dma source(%dma_start3A_105 : memref<4096xf32, #tpu.memory_space<hbm>>) target(%arg11 : memref<4096xf32, #tpu.memory_space<vmem>>) target_semaphore(%run_scoped3A : memref<!tpu.dma_semaphore, #tpu.memory_space<semaphore_mem>>)
      %dma_wait3A = tpu.memref_slice %arg3[%add3A_47] : memref<49152xf32, #tpu.memory_space<hbm>> -> memref<4096xf32, #tpu.memory_space<hbm>>
      %dma_wait3A_106 = tpu.memref_slice %arg3[%add3A_47] : memref<49152xf32, #tpu.memory_space<hbm>> -> memref<4096xf32, #tpu.memory_space<hbm>>
      tpu.wait_dma2 semaphore(%run_scoped3A : memref<!tpu.dma_semaphore, #tpu.memory_space<semaphore_mem>>) src(%dma_wait3A_106 : memref<4096xf32, #tpu.memory_space<hbm>>) dst(%arg11 : memref<4096xf32, #tpu.memory_space<vmem>>)
      tpu.yield
    }) : () -> ()
    %add3A_48 = arith.constant 8192 : i32
    %add3A_49 = arith.addi %mul3A_41, %add3A_48 : i32
    "tpu.region"() ({
      %run_scoped3A = tpu.sem_alloc : memref<!tpu.dma_semaphore, #tpu.memory_space<semaphore_mem>>
      %dma_start3A = tpu.memref_slice %arg3[%add3A_49] : memref<49152xf32, #tpu.memory_space<hbm>> -> memref<4096xf32, #tpu.memory_space<hbm>>
      %dma_start3A_105 = tpu.memref_slice %arg3[%add3A_49] : memref<49152xf32, #tpu.memory_space<hbm>> -> memref<4096xf32, #tpu.memory_space<hbm>>
      tpu.enqueue_dma source(%dma_start3A_105 : memref<4096xf32, #tpu.memory_space<hbm>>) target(%arg12 : memref<4096xf32, #tpu.memory_space<vmem>>) target_semaphore(%run_scoped3A : memref<!tpu.dma_semaphore, #tpu.memory_space<semaphore_mem>>)
      %dma_wait3A = tpu.memref_slice %arg3[%add3A_49] : memref<49152xf32, #tpu.memory_space<hbm>> -> memref<4096xf32, #tpu.memory_space<hbm>>
      %dma_wait3A_106 = tpu.memref_slice %arg3[%add3A_49] : memref<49152xf32, #tpu.memory_space<hbm>> -> memref<4096xf32, #tpu.memory_space<hbm>>
      tpu.wait_dma2 semaphore(%run_scoped3A : memref<!tpu.dma_semaphore, #tpu.memory_space<semaphore_mem>>) src(%dma_wait3A_106 : memref<4096xf32, #tpu.memory_space<hbm>>) dst(%arg12 : memref<4096xf32, #tpu.memory_space<vmem>>)
      tpu.yield
    }) : () -> ()
    %scan3A = arith.constant 0 : i32
    %scan3A_50 = arith.constant 0 : i32
    %scan3A_51 = arith.constant 256 : i32
    %scan3A_52 = arith.addi %scan3A_50, %scan3A_51 : i32
    %scan3A_53 = arith.constant 4 : i32
    scf.for %scan3A_105 = %scan3A_50 to %scan3A_52 step %scan3A_53  : i32 {
      %mul3A_106 = arith.constant 16 : i32
      %mul3A_107 = arith.muli %scan3A_105, %mul3A_106 : i32
      %get3A = arith.index_cast %mul3A_107 : i32 to index
      %get3A_108 = tpu.vector_load %arg10[%get3A] {strides = array<i32>} : memref<4096xf32, #tpu.memory_space<vmem>>, vector<16xf32>,
      %get3A_109 = vector.shape_cast %get3A_108 : vector<16xf32> to vector<16xf32>
      %get3A_110 = arith.index_cast %mul3A_107 : i32 to index
      %get3A_111 = tpu.vector_load %arg11[%get3A_110] {strides = array<i32>} : memref<4096xf32, #tpu.memory_space<vmem>>, vector<16xf32>,
      %get3A_112 = vector.shape_cast %get3A_111 : vector<16xf32> to vector<16xf32>
      %get3A_113 = arith.index_cast %mul3A_107 : i32 to index
      %get3A_114 = tpu.vector_load %arg12[%get3A_113] {strides = array<i32>} : memref<4096xf32, #tpu.memory_space<vmem>>, vector<16xf32>,
      %get3A_115 = vector.shape_cast %get3A_114 : vector<16xf32> to vector<16xf32>
      %mul3A_116 = arith.mulf %get3A_109, %get3A_109 : vector<16xf32>
      %mul3A_117 = arith.mulf %get3A_112, %get3A_112 : vector<16xf32>
      %add3A_118 = arith.addf %mul3A_116, %mul3A_117 : vector<16xf32>
      %mul3A_119 = arith.mulf %get3A_115, %get3A_115 : vector<16xf32>
      %add3A_120 = arith.addf %add3A_118, %mul3A_119 : vector<16xf32>
      %swap3A_121 = arith.index_cast %mul3A_107 : i32 to index
      %swap3A_122 = tpu.vector_load %arg13[%swap3A_121] {strides = array<i32>} : memref<4096xf32, #tpu.memory_space<vmem>>, vector<16xf32>,
      %swap3A_123 = vector.shape_cast %swap3A_122 : vector<16xf32> to vector<16xf32>
      %swap3A_124 = vector.shape_cast %add3A_120 : vector<16xf32> to vector<16xf32>
      tpu.vector_store %arg13[%swap3A_121], %swap3A_124 {strides = array<i32>} : memref<4096xf32, #tpu.memory_space<vmem>>, vector<16xf32>,
      %bitcast_convert_type3A = tpu.bitcast %get3A_109 : vector<16xf32> -> vector<16xi32>
      %add3A_125 = arith.constant 32767 : i32
      %add3A_126 = vector.broadcast %add3A_125 : i32 to vector<16xi32>
      %add3A_127 = arith.addi %bitcast_convert_type3A, %add3A_126 : vector<16xi32>
      %shift_right_arithmetic3A = arith.constant 16 : i32
      %shift_right_arithmetic3A_128 = vector.broadcast %shift_right_arithmetic3A : i32 to vector<16xi32>
      %shift_right_arithmetic3A_129 = arith.shrsi %bitcast_convert_type3A, %shift_right_arithmetic3A_128 : vector<16xi32>
      %and3A_130 = arith.constant 1 : i32
      %and3A_131 = vector.broadcast %and3A_130 : i32 to vector<16xi32>
      %and3A_132 = arith.andi %shift_right_arithmetic3A_129, %and3A_131 : vector<16xi32>
      %add3A_133 = arith.addi %add3A_127, %and3A_132 : vector<16xi32>
      %and3A_134 = arith.constant -65536 : i32
      %and3A_135 = vector.broadcast %and3A_134 : i32 to vector<16xi32>
      %and3A_136 = arith.andi %add3A_133, %and3A_135 : vector<16xi32>
      %bitcast_convert_type3A_137 = tpu.bitcast %and3A_136 : vector<16xi32> -> vector<16xf32>
      %swap3A_138 = arith.index_cast %mul3A_107 : i32 to index
      %swap3A_139 = tpu.vector_load %arg10[%swap3A_138] {strides = array<i32>} : memref<4096xf32, #tpu.memory_space<vmem>>, vector<16xf32>,
      %swap3A_140 = vector.shape_cast %swap3A_139 : vector<16xf32> to vector<16xf32>
      %swap3A_141 = vector.shape_cast %bitcast_convert_type3A_137 : vector<16xf32> to vector<16xf32>
      tpu.vector_store %arg10[%swap3A_138], %swap3A_141 {strides = array<i32>} : memref<4096xf32, #tpu.memory_space<vmem>>, vector<16xf32>,
      %bitcast_convert_type3A_142 = tpu.bitcast %get3A_112 : vector<16xf32> -> vector<16xi32>
      %add3A_143 = arith.constant 32767 : i32
      %add3A_144 = vector.broadcast %add3A_143 : i32 to vector<16xi32>
      %add3A_145 = arith.addi %bitcast_convert_type3A_142, %add3A_144 : vector<16xi32>
      %shift_right_arithmetic3A_146 = arith.constant 16 : i32
      %shift_right_arithmetic3A_147 = vector.broadcast %shift_right_arithmetic3A_146 : i32 to vector<16xi32>
      %shift_right_arithmetic3A_148 = arith.shrsi %bitcast_convert_type3A_142, %shift_right_arithmetic3A_147 : vector<16xi32>
      %and3A_149 = arith.constant 1 : i32
      %and3A_150 = vector.broadcast %and3A_149 : i32 to vector<16xi32>
      %and3A_151 = arith.andi %shift_right_arithmetic3A_148, %and3A_150 : vector<16xi32>
      %add3A_152 = arith.addi %add3A_145, %and3A_151 : vector<16xi32>
      %and3A_153 = arith.constant -65536 : i32
      %and3A_154 = vector.broadcast %and3A_153 : i32 to vector<16xi32>
      %and3A_155 = arith.andi %add3A_152, %and3A_154 : vector<16xi32>
      %bitcast_convert_type3A_156 = tpu.bitcast %and3A_155 : vector<16xi32> -> vector<16xf32>
      %swap3A_157 = arith.index_cast %mul3A_107 : i32 to index
      %swap3A_158 = tpu.vector_load %arg11[%swap3A_157] {strides = array<i32>} : memref<4096xf32, #tpu.memory_space<vmem>>, vector<16xf32>,
      %swap3A_159 = vector.shape_cast %swap3A_158 : vector<16xf32> to vector<16xf32>
      %swap3A_160 = vector.shape_cast %bitcast_convert_type3A_156 : vector<16xf32> to vector<16xf32>
      tpu.vector_store %arg11[%swap3A_157], %swap3A_160 {strides = array<i32>} : memref<4096xf32, #tpu.memory_space<vmem>>, vector<16xf32>,
      %bitcast_convert_type3A_161 = tpu.bitcast %get3A_115 : vector<16xf32> -> vector<16xi32>
      %add3A_162 = arith.constant 32767 : i32
      %add3A_163 = vector.broadcast %add3A_162 : i32 to vector<16xi32>
      %add3A_164 = arith.addi %bitcast_convert_type3A_161, %add3A_163 : vector<16xi32>
      %shift_right_arithmetic3A_165 = arith.constant 16 : i32
      %shift_right_arithmetic3A_166 = vector.broadcast %shift_right_arithmetic3A_165 : i32 to vector<16xi32>
      %shift_right_arithmetic3A_167 = arith.shrsi %bitcast_convert_type3A_161, %shift_right_arithmetic3A_166 : vector<16xi32>
      %and3A_168 = arith.constant 1 : i32
      %and3A_169 = vector.broadcast %and3A_168 : i32 to vector<16xi32>
      %and3A_170 = arith.andi %shift_right_arithmetic3A_167, %and3A_169 : vector<16xi32>
      %add3A_171 = arith.addi %add3A_164, %and3A_170 : vector<16xi32>
      %and3A_172 = arith.constant -65536 : i32
      %and3A_173 = vector.broadcast %and3A_172 : i32 to vector<16xi32>
      %and3A_174 = arith.andi %add3A_171, %and3A_173 : vector<16xi32>
      %bitcast_convert_type3A_175 = tpu.bitcast %and3A_174 : vector<16xi32> -> vector<16xf32>
      %swap3A_176 = arith.index_cast %mul3A_107 : i32 to index
      %swap3A_177 = tpu.vector_load %arg12[%swap3A_176] {strides = array<i32>} : memref<4096xf32, #tpu.memory_space<vmem>>, vector<16xf32>,
      %swap3A_178 = vector.shape_cast %swap3A_177 : vector<16xf32> to vector<16xf32>
      %swap3A_179 = vector.shape_cast %bitcast_convert_type3A_175 : vector<16xf32> to vector<16xf32>
      tpu.vector_store %arg12[%swap3A_176], %swap3A_179 {strides = array<i32>} : memref<4096xf32, #tpu.memory_space<vmem>>, vector<16xf32>,
      %broadcast_in_dim3A_180 = arith.constant 0x7F800000 : f32
      %broadcast_in_dim3A_181 = vector.broadcast %broadcast_in_dim3A_180 : f32 to vector<16xf32>
      %swap3A_182 = arith.index_cast %mul3A_107 : i32 to index
      %swap3A_183 = tpu.vector_load %arg14[%swap3A_182] {strides = array<i32>} : memref<4096xf32, #tpu.memory_space<vmem>>, vector<16xf32>,
      %swap3A_184 = vector.shape_cast %swap3A_183 : vector<16xf32> to vector<16xf32>
      %swap3A_185 = vector.shape_cast %broadcast_in_dim3A_181 : vector<16xf32> to vector<16xf32>
      tpu.vector_store %arg14[%swap3A_182], %swap3A_185 {strides = array<i32>} : memref<4096xf32, #tpu.memory_space<vmem>>, vector<16xf32>,
      %scan3A_186 = arith.constant 1 : i32
      %scan3A_187 = arith.addi %scan3A_105, %scan3A_186 : i32
      %mul3A_188 = arith.constant 16 : i32
      %mul3A_189 = arith.muli %scan3A_187, %mul3A_188 : i32
      %get3A_190 = arith.index_cast %mul3A_189 : i32 to index
      %get3A_191 = tpu.vector_load %arg10[%get3A_190] {strides = array<i32>} : memref<4096xf32, #tpu.memory_space<vmem>>, vector<16xf32>,
      %get3A_192 = vector.shape_cast %get3A_191 : vector<16xf32> to vector<16xf32>
      %get3A_193 = arith.index_cast %mul3A_189 : i32 to index
      %get3A_194 = tpu.vector_load %arg11[%get3A_193] {strides = array<i32>} : memref<4096xf32, #tpu.memory_space<vmem>>, vector<16xf32>,
      %get3A_195 = vector.shape_cast %get3A_194 : vector<16xf32> to vector<16xf32>
      %get3A_196 = arith.index_cast %mul3A_189 : i32 to index
      %get3A_197 = tpu.vector_load %arg12[%get3A_196] {strides = array<i32>} : memref<4096xf32, #tpu.memory_space<vmem>>, vector<16xf32>,
      %get3A_198 = vector.shape_cast %get3A_197 : vector<16xf32> to vector<16xf32>
      %mul3A_199 = arith.mulf %get3A_192, %get3A_192 : vector<16xf32>
      %mul3A_200 = arith.mulf %get3A_195, %get3A_195 : vector<16xf32>
      %add3A_201 = arith.addf %mul3A_199, %mul3A_200 : vector<16xf32>
      %mul3A_202 = arith.mulf %get3A_198, %get3A_198 : vector<16xf32>
      %add3A_203 = arith.addf %add3A_201, %mul3A_202 : vector<16xf32>
      %swap3A_204 = arith.index_cast %mul3A_189 : i32 to index
      %swap3A_205 = tpu.vector_load %arg13[%swap3A_204] {strides = array<i32>} : memref<4096xf32, #tpu.memory_space<vmem>>, vector<16xf32>,
      %swap3A_206 = vector.shape_cast %swap3A_205 : vector<16xf32> to vector<16xf32>
      %swap3A_207 = vector.shape_cast %add3A_203 : vector<16xf32> to vector<16xf32>
      tpu.vector_store %arg13[%swap3A_204], %swap3A_207 {strides = array<i32>} : memref<4096xf32, #tpu.memory_space<vmem>>, vector<16xf32>,
      %bitcast_convert_type3A_208 = tpu.bitcast %get3A_192 : vector<16xf32> -> vector<16xi32>
      %add3A_209 = arith.constant 32767 : i32
      %add3A_210 = vector.broadcast %add3A_209 : i32 to vector<16xi32>
      %add3A_211 = arith.addi %bitcast_convert_type3A_208, %add3A_210 : vector<16xi32>
      %shift_right_arithmetic3A_212 = arith.constant 16 : i32
      %shift_right_arithmetic3A_213 = vector.broadcast %shift_right_arithmetic3A_212 : i32 to vector<16xi32>
      %shift_right_arithmetic3A_214 = arith.shrsi %bitcast_convert_type3A_208, %shift_right_arithmetic3A_213 : vector<16xi32>
      %and3A_215 = arith.constant 1 : i32
      %and3A_216 = vector.broadcast %and3A_215 : i32 to vector<16xi32>
      %and3A_217 = arith.andi %shift_right_arithmetic3A_214, %and3A_216 : vector<16xi32>
      %add3A_218 = arith.addi %add3A_211, %and3A_217 : vector<16xi32>
      %and3A_219 = arith.constant -65536 : i32
      %and3A_220 = vector.broadcast %and3A_219 : i32 to vector<16xi32>
      %and3A_221 = arith.andi %add3A_218, %and3A_220 : vector<16xi32>
      %bitcast_convert_type3A_222 = tpu.bitcast %and3A_221 : vector<16xi32> -> vector<16xf32>
      %swap3A_223 = arith.index_cast %mul3A_189 : i32 to index
      %swap3A_224 = tpu.vector_load %arg10[%swap3A_223] {strides = array<i32>} : memref<4096xf32, #tpu.memory_space<vmem>>, vector<16xf32>,
      %swap3A_225 = vector.shape_cast %swap3A_224 : vector<16xf32> to vector<16xf32>
      %swap3A_226 = vector.shape_cast %bitcast_convert_type3A_222 : vector<16xf32> to vector<16xf32>
      tpu.vector_store %arg10[%swap3A_223], %swap3A_226 {strides = array<i32>} : memref<4096xf32, #tpu.memory_space<vmem>>, vector<16xf32>,
      %bitcast_convert_type3A_227 = tpu.bitcast %get3A_195 : vector<16xf32> -> vector<16xi32>
      %add3A_228 = arith.constant 32767 : i32
      %add3A_229 = vector.broadcast %add3A_228 : i32 to vector<16xi32>
      %add3A_230 = arith.addi %bitcast_convert_type3A_227, %add3A_229 : vector<16xi32>
      %shift_right_arithmetic3A_231 = arith.constant 16 : i32
      %shift_right_arithmetic3A_232 = vector.broadcast %shift_right_arithmetic3A_231 : i32 to vector<16xi32>
      %shift_right_arithmetic3A_233 = arith.shrsi %bitcast_convert_type3A_227, %shift_right_arithmetic3A_232 : vector<16xi32>
      %and3A_234 = arith.constant 1 : i32
      %and3A_235 = vector.broadcast %and3A_234 : i32 to vector<16xi32>
      %and3A_236 = arith.andi %shift_right_arithmetic3A_233, %and3A_235 : vector<16xi32>
      %add3A_237 = arith.addi %add3A_230, %and3A_236 : vector<16xi32>
      %and3A_238 = arith.constant -65536 : i32
      %and3A_239 = vector.broadcast %and3A_238 : i32 to vector<16xi32>
      %and3A_240 = arith.andi %add3A_237, %and3A_239 : vector<16xi32>
      %bitcast_convert_type3A_241 = tpu.bitcast %and3A_240 : vector<16xi32> -> vector<16xf32>
      %swap3A_242 = arith.index_cast %mul3A_189 : i32 to index
      %swap3A_243 = tpu.vector_load %arg11[%swap3A_242] {strides = array<i32>} : memref<4096xf32, #tpu.memory_space<vmem>>, vector<16xf32>,
      %swap3A_244 = vector.shape_cast %swap3A_243 : vector<16xf32> to vector<16xf32>
      %swap3A_245 = vector.shape_cast %bitcast_convert_type3A_241 : vector<16xf32> to vector<16xf32>
      tpu.vector_store %arg11[%swap3A_242], %swap3A_245 {strides = array<i32>} : memref<4096xf32, #tpu.memory_space<vmem>>, vector<16xf32>,
      %bitcast_convert_type3A_246 = tpu.bitcast %get3A_198 : vector<16xf32> -> vector<16xi32>
      %add3A_247 = arith.constant 32767 : i32
      %add3A_248 = vector.broadcast %add3A_247 : i32 to vector<16xi32>
      %add3A_249 = arith.addi %bitcast_convert_type3A_246, %add3A_248 : vector<16xi32>
      %shift_right_arithmetic3A_250 = arith.constant 16 : i32
      %shift_right_arithmetic3A_251 = vector.broadcast %shift_right_arithmetic3A_250 : i32 to vector<16xi32>
      %shift_right_arithmetic3A_252 = arith.shrsi %bitcast_convert_type3A_246, %shift_right_arithmetic3A_251 : vector<16xi32>
      %and3A_253 = arith.constant 1 : i32
      %and3A_254 = vector.broadcast %and3A_253 : i32 to vector<16xi32>
      %and3A_255 = arith.andi %shift_right_arithmetic3A_252, %and3A_254 : vector<16xi32>
      %add3A_256 = arith.addi %add3A_249, %and3A_255 : vector<16xi32>
      %and3A_257 = arith.constant -65536 : i32
      %and3A_258 = vector.broadcast %and3A_257 : i32 to vector<16xi32>
      %and3A_259 = arith.andi %add3A_256, %and3A_258 : vector<16xi32>
      %bitcast_convert_type3A_260 = tpu.bitcast %and3A_259 : vector<16xi32> -> vector<16xf32>
      %swap3A_261 = arith.index_cast %mul3A_189 : i32 to index
      %swap3A_262 = tpu.vector_load %arg12[%swap3A_261] {strides = array<i32>} : memref<4096xf32, #tpu.memory_space<vmem>>, vector<16xf32>,
      %swap3A_263 = vector.shape_cast %swap3A_262 : vector<16xf32> to vector<16xf32>
      %swap3A_264 = vector.shape_cast %bitcast_convert_type3A_260 : vector<16xf32> to vector<16xf32>
      tpu.vector_store %arg12[%swap3A_261], %swap3A_264 {strides = array<i32>} : memref<4096xf32, #tpu.memory_space<vmem>>, vector<16xf32>,
      %broadcast_in_dim3A_265 = arith.constant 0x7F800000 : f32
      %broadcast_in_dim3A_266 = vector.broadcast %broadcast_in_dim3A_265 : f32 to vector<16xf32>
      %swap3A_267 = arith.index_cast %mul3A_189 : i32 to index
      %swap3A_268 = tpu.vector_load %arg14[%swap3A_267] {strides = array<i32>} : memref<4096xf32, #tpu.memory_space<vmem>>, vector<16xf32>,
      %swap3A_269 = vector.shape_cast %swap3A_268 : vector<16xf32> to vector<16xf32>
      %swap3A_270 = vector.shape_cast %broadcast_in_dim3A_266 : vector<16xf32> to vector<16xf32>
      tpu.vector_store %arg14[%swap3A_267], %swap3A_270 {strides = array<i32>} : memref<4096xf32, #tpu.memory_space<vmem>>, vector<16xf32>,
      %scan3A_271 = arith.constant 2 : i32
      %scan3A_272 = arith.addi %scan3A_105, %scan3A_271 : i32
      %mul3A_273 = arith.constant 16 : i32
      %mul3A_274 = arith.muli %scan3A_272, %mul3A_273 : i32
      %get3A_275 = arith.index_cast %mul3A_274 : i32 to index
      %get3A_276 = tpu.vector_load %arg10[%get3A_275] {strides = array<i32>} : memref<4096xf32, #tpu.memory_space<vmem>>, vector<16xf32>,
      %get3A_277 = vector.shape_cast %get3A_276 : vector<16xf32> to vector<16xf32>
      %get3A_278 = arith.index_cast %mul3A_274 : i32 to index
      %get3A_279 = tpu.vector_load %arg11[%get3A_278] {strides = array<i32>} : memref<4096xf32, #tpu.memory_space<vmem>>, vector<16xf32>,
      %get3A_280 = vector.shape_cast %get3A_279 : vector<16xf32> to vector<16xf32>
      %get3A_281 = arith.index_cast %mul3A_274 : i32 to index
      %get3A_282 = tpu.vector_load %arg12[%get3A_281] {strides = array<i32>} : memref<4096xf32, #tpu.memory_space<vmem>>, vector<16xf32>,
      %get3A_283 = vector.shape_cast %get3A_282 : vector<16xf32> to vector<16xf32>
      %mul3A_284 = arith.mulf %get3A_277, %get3A_277 : vector<16xf32>
      %mul3A_285 = arith.mulf %get3A_280, %get3A_280 : vector<16xf32>
      %add3A_286 = arith.addf %mul3A_284, %mul3A_285 : vector<16xf32>
      %mul3A_287 = arith.mulf %get3A_283, %get3A_283 : vector<16xf32>
      %add3A_288 = arith.addf %add3A_286, %mul3A_287 : vector<16xf32>
      %swap3A_289 = arith.index_cast %mul3A_274 : i32 to index
      %swap3A_290 = tpu.vector_load %arg13[%swap3A_289] {strides = array<i32>} : memref<4096xf32, #tpu.memory_space<vmem>>, vector<16xf32>,
      %swap3A_291 = vector.shape_cast %swap3A_290 : vector<16xf32> to vector<16xf32>
      %swap3A_292 = vector.shape_cast %add3A_288 : vector<16xf32> to vector<16xf32>
      tpu.vector_store %arg13[%swap3A_289], %swap3A_292 {strides = array<i32>} : memref<4096xf32, #tpu.memory_space<vmem>>, vector<16xf32>,
      %bitcast_convert_type3A_293 = tpu.bitcast %get3A_277 : vector<16xf32> -> vector<16xi32>
      %add3A_294 = arith.constant 32767 : i32
      %add3A_295 = vector.broadcast %add3A_294 : i32 to vector<16xi32>
      %add3A_296 = arith.addi %bitcast_convert_type3A_293, %add3A_295 : vector<16xi32>
      %shift_right_arithmetic3A_297 = arith.constant 16 : i32
      %shift_right_arithmetic3A_298 = vector.broadcast %shift_right_arithmetic3A_297 : i32 to vector<16xi32>
      %shift_right_arithmetic3A_299 = arith.shrsi %bitcast_convert_type3A_293, %shift_right_arithmetic3A_298 : vector<16xi32>
      %and3A_300 = arith.constant 1 : i32
      %and3A_301 = vector.broadcast %and3A_300 : i32 to vector<16xi32>
      %and3A_302 = arith.andi %shift_right_arithmetic3A_299, %and3A_301 : vector<16xi32>
      %add3A_303 = arith.addi %add3A_296, %and3A_302 : vector<16xi32>
      %and3A_304 = arith.constant -65536 : i32
      %and3A_305 = vector.broadcast %and3A_304 : i32 to vector<16xi32>
      %and3A_306 = arith.andi %add3A_303, %and3A_305 : vector<16xi32>
      %bitcast_convert_type3A_307 = tpu.bitcast %and3A_306 : vector<16xi32> -> vector<16xf32>
      %swap3A_308 = arith.index_cast %mul3A_274 : i32 to index
      %swap3A_309 = tpu.vector_load %arg10[%swap3A_308] {strides = array<i32>} : memref<4096xf32, #tpu.memory_space<vmem>>, vector<16xf32>,
      %swap3A_310 = vector.shape_cast %swap3A_309 : vector<16xf32> to vector<16xf32>
      %swap3A_311 = vector.shape_cast %bitcast_convert_type3A_307 : vector<16xf32> to vector<16xf32>
      tpu.vector_store %arg10[%swap3A_308], %swap3A_311 {strides = array<i32>} : memref<4096xf32, #tpu.memory_space<vmem>>, vector<16xf32>,
      %bitcast_convert_type3A_312 = tpu.bitcast %get3A_280 : vector<16xf32> -> vector<16xi32>
      %add3A_313 = arith.constant 32767 : i32
      %add3A_314 = vector.broadcast %add3A_313 : i32 to vector<16xi32>
      %add3A_315 = arith.addi %bitcast_convert_type3A_312, %add3A_314 : vector<16xi32>
      %shift_right_arithmetic3A_316 = arith.constant 16 : i32
      %shift_right_arithmetic3A_317 = vector.broadcast %shift_right_arithmetic3A_316 : i32 to vector<16xi32>
      %shift_right_arithmetic3A_318 = arith.shrsi %bitcast_convert_type3A_312, %shift_right_arithmetic3A_317 : vector<16xi32>
      %and3A_319 = arith.constant 1 : i32
      %and3A_320 = vector.broadcast %and3A_319 : i32 to vector<16xi32>
      %and3A_321 = arith.andi %shift_right_arithmetic3A_318, %and3A_320 : vector<16xi32>
      %add3A_322 = arith.addi %add3A_315, %and3A_321 : vector<16xi32>
      %and3A_323 = arith.constant -65536 : i32
      %and3A_324 = vector.broadcast %and3A_323 : i32 to vector<16xi32>
      %and3A_325 = arith.andi %add3A_322, %and3A_324 : vector<16xi32>
      %bitcast_convert_type3A_326 = tpu.bitcast %and3A_325 : vector<16xi32> -> vector<16xf32>
      %swap3A_327 = arith.index_cast %mul3A_274 : i32 to index
      %swap3A_328 = tpu.vector_load %arg11[%swap3A_327] {strides = array<i32>} : memref<4096xf32, #tpu.memory_space<vmem>>, vector<16xf32>,
      %swap3A_329 = vector.shape_cast %swap3A_328 : vector<16xf32> to vector<16xf32>
      %swap3A_330 = vector.shape_cast %bitcast_convert_type3A_326 : vector<16xf32> to vector<16xf32>
      tpu.vector_store %arg11[%swap3A_327], %swap3A_330 {strides = array<i32>} : memref<4096xf32, #tpu.memory_space<vmem>>, vector<16xf32>,
      %bitcast_convert_type3A_331 = tpu.bitcast %get3A_283 : vector<16xf32> -> vector<16xi32>
      %add3A_332 = arith.constant 32767 : i32
      %add3A_333 = vector.broadcast %add3A_332 : i32 to vector<16xi32>
      %add3A_334 = arith.addi %bitcast_convert_type3A_331, %add3A_333 : vector<16xi32>
      %shift_right_arithmetic3A_335 = arith.constant 16 : i32
      %shift_right_arithmetic3A_336 = vector.broadcast %shift_right_arithmetic3A_335 : i32 to vector<16xi32>
      %shift_right_arithmetic3A_337 = arith.shrsi %bitcast_convert_type3A_331, %shift_right_arithmetic3A_336 : vector<16xi32>
      %and3A_338 = arith.constant 1 : i32
      %and3A_339 = vector.broadcast %and3A_338 : i32 to vector<16xi32>
      %and3A_340 = arith.andi %shift_right_arithmetic3A_337, %and3A_339 : vector<16xi32>
      %add3A_341 = arith.addi %add3A_334, %and3A_340 : vector<16xi32>
      %and3A_342 = arith.constant -65536 : i32
      %and3A_343 = vector.broadcast %and3A_342 : i32 to vector<16xi32>
      %and3A_344 = arith.andi %add3A_341, %and3A_343 : vector<16xi32>
      %bitcast_convert_type3A_345 = tpu.bitcast %and3A_344 : vector<16xi32> -> vector<16xf32>
      %swap3A_346 = arith.index_cast %mul3A_274 : i32 to index
      %swap3A_347 = tpu.vector_load %arg12[%swap3A_346] {strides = array<i32>} : memref<4096xf32, #tpu.memory_space<vmem>>, vector<16xf32>,
      %swap3A_348 = vector.shape_cast %swap3A_347 : vector<16xf32> to vector<16xf32>
      %swap3A_349 = vector.shape_cast %bitcast_convert_type3A_345 : vector<16xf32> to vector<16xf32>
      tpu.vector_store %arg12[%swap3A_346], %swap3A_349 {strides = array<i32>} : memref<4096xf32, #tpu.memory_space<vmem>>, vector<16xf32>,
      %broadcast_in_dim3A_350 = arith.constant 0x7F800000 : f32
      %broadcast_in_dim3A_351 = vector.broadcast %broadcast_in_dim3A_350 : f32 to vector<16xf32>
      %swap3A_352 = arith.index_cast %mul3A_274 : i32 to index
      %swap3A_353 = tpu.vector_load %arg14[%swap3A_352] {strides = array<i32>} : memref<4096xf32, #tpu.memory_space<vmem>>, vector<16xf32>,
      %swap3A_354 = vector.shape_cast %swap3A_353 : vector<16xf32> to vector<16xf32>
      %swap3A_355 = vector.shape_cast %broadcast_in_dim3A_351 : vector<16xf32> to vector<16xf32>
      tpu.vector_store %arg14[%swap3A_352], %swap3A_355 {strides = array<i32>} : memref<4096xf32, #tpu.memory_space<vmem>>, vector<16xf32>,
      %scan3A_356 = arith.constant 3 : i32
      %scan3A_357 = arith.addi %scan3A_105, %scan3A_356 : i32
      %mul3A_358 = arith.constant 16 : i32
      %mul3A_359 = arith.muli %scan3A_357, %mul3A_358 : i32
      %get3A_360 = arith.index_cast %mul3A_359 : i32 to index
      %get3A_361 = tpu.vector_load %arg10[%get3A_360] {strides = array<i32>} : memref<4096xf32, #tpu.memory_space<vmem>>, vector<16xf32>,
      %get3A_362 = vector.shape_cast %get3A_361 : vector<16xf32> to vector<16xf32>
      %get3A_363 = arith.index_cast %mul3A_359 : i32 to index
      %get3A_364 = tpu.vector_load %arg11[%get3A_363] {strides = array<i32>} : memref<4096xf32, #tpu.memory_space<vmem>>, vector<16xf32>,
      %get3A_365 = vector.shape_cast %get3A_364 : vector<16xf32> to vector<16xf32>
      %get3A_366 = arith.index_cast %mul3A_359 : i32 to index
      %get3A_367 = tpu.vector_load %arg12[%get3A_366] {strides = array<i32>} : memref<4096xf32, #tpu.memory_space<vmem>>, vector<16xf32>,
      %get3A_368 = vector.shape_cast %get3A_367 : vector<16xf32> to vector<16xf32>
      %mul3A_369 = arith.mulf %get3A_362, %get3A_362 : vector<16xf32>
      %mul3A_370 = arith.mulf %get3A_365, %get3A_365 : vector<16xf32>
      %add3A_371 = arith.addf %mul3A_369, %mul3A_370 : vector<16xf32>
      %mul3A_372 = arith.mulf %get3A_368, %get3A_368 : vector<16xf32>
      %add3A_373 = arith.addf %add3A_371, %mul3A_372 : vector<16xf32>
      %swap3A_374 = arith.index_cast %mul3A_359 : i32 to index
      %swap3A_375 = tpu.vector_load %arg13[%swap3A_374] {strides = array<i32>} : memref<4096xf32, #tpu.memory_space<vmem>>, vector<16xf32>,
      %swap3A_376 = vector.shape_cast %swap3A_375 : vector<16xf32> to vector<16xf32>
      %swap3A_377 = vector.shape_cast %add3A_373 : vector<16xf32> to vector<16xf32>
      tpu.vector_store %arg13[%swap3A_374], %swap3A_377 {strides = array<i32>} : memref<4096xf32, #tpu.memory_space<vmem>>, vector<16xf32>,
      %bitcast_convert_type3A_378 = tpu.bitcast %get3A_362 : vector<16xf32> -> vector<16xi32>
      %add3A_379 = arith.constant 32767 : i32
      %add3A_380 = vector.broadcast %add3A_379 : i32 to vector<16xi32>
      %add3A_381 = arith.addi %bitcast_convert_type3A_378, %add3A_380 : vector<16xi32>
      %shift_right_arithmetic3A_382 = arith.constant 16 : i32
      %shift_right_arithmetic3A_383 = vector.broadcast %shift_right_arithmetic3A_382 : i32 to vector<16xi32>
      %shift_right_arithmetic3A_384 = arith.shrsi %bitcast_convert_type3A_378, %shift_right_arithmetic3A_383 : vector<16xi32>
      %and3A_385 = arith.constant 1 : i32
      %and3A_386 = vector.broadcast %and3A_385 : i32 to vector<16xi32>
      %and3A_387 = arith.andi %shift_right_arithmetic3A_384, %and3A_386 : vector<16xi32>
      %add3A_388 = arith.addi %add3A_381, %and3A_387 : vector<16xi32>
      %and3A_389 = arith.constant -65536 : i32
      %and3A_390 = vector.broadcast %and3A_389 : i32 to vector<16xi32>
      %and3A_391 = arith.andi %add3A_388, %and3A_390 : vector<16xi32>
      %bitcast_convert_type3A_392 = tpu.bitcast %and3A_391 : vector<16xi32> -> vector<16xf32>
      %swap3A_393 = arith.index_cast %mul3A_359 : i32 to index
      %swap3A_394 = tpu.vector_load %arg10[%swap3A_393] {strides = array<i32>} : memref<4096xf32, #tpu.memory_space<vmem>>, vector<16xf32>,
      %swap3A_395 = vector.shape_cast %swap3A_394 : vector<16xf32> to vector<16xf32>
      %swap3A_396 = vector.shape_cast %bitcast_convert_type3A_392 : vector<16xf32> to vector<16xf32>
      tpu.vector_store %arg10[%swap3A_393], %swap3A_396 {strides = array<i32>} : memref<4096xf32, #tpu.memory_space<vmem>>, vector<16xf32>,
      %bitcast_convert_type3A_397 = tpu.bitcast %get3A_365 : vector<16xf32> -> vector<16xi32>
      %add3A_398 = arith.constant 32767 : i32
      %add3A_399 = vector.broadcast %add3A_398 : i32 to vector<16xi32>
      %add3A_400 = arith.addi %bitcast_convert_type3A_397, %add3A_399 : vector<16xi32>
      %shift_right_arithmetic3A_401 = arith.constant 16 : i32
      %shift_right_arithmetic3A_402 = vector.broadcast %shift_right_arithmetic3A_401 : i32 to vector<16xi32>
      %shift_right_arithmetic3A_403 = arith.shrsi %bitcast_convert_type3A_397, %shift_right_arithmetic3A_402 : vector<16xi32>
      %and3A_404 = arith.constant 1 : i32
      %and3A_405 = vector.broadcast %and3A_404 : i32 to vector<16xi32>
      %and3A_406 = arith.andi %shift_right_arithmetic3A_403, %and3A_405 : vector<16xi32>
      %add3A_407 = arith.addi %add3A_400, %and3A_406 : vector<16xi32>
      %and3A_408 = arith.constant -65536 : i32
      %and3A_409 = vector.broadcast %and3A_408 : i32 to vector<16xi32>
      %and3A_410 = arith.andi %add3A_407, %and3A_409 : vector<16xi32>
      %bitcast_convert_type3A_411 = tpu.bitcast %and3A_410 : vector<16xi32> -> vector<16xf32>
      %swap3A_412 = arith.index_cast %mul3A_359 : i32 to index
      %swap3A_413 = tpu.vector_load %arg11[%swap3A_412] {strides = array<i32>} : memref<4096xf32, #tpu.memory_space<vmem>>, vector<16xf32>,
      %swap3A_414 = vector.shape_cast %swap3A_413 : vector<16xf32> to vector<16xf32>
      %swap3A_415 = vector.shape_cast %bitcast_convert_type3A_411 : vector<16xf32> to vector<16xf32>
      tpu.vector_store %arg11[%swap3A_412], %swap3A_415 {strides = array<i32>} : memref<4096xf32, #tpu.memory_space<vmem>>, vector<16xf32>,
      %bitcast_convert_type3A_416 = tpu.bitcast %get3A_368 : vector<16xf32> -> vector<16xi32>
      %add3A_417 = arith.constant 32767 : i32
      %add3A_418 = vector.broadcast %add3A_417 : i32 to vector<16xi32>
      %add3A_419 = arith.addi %bitcast_convert_type3A_416, %add3A_418 : vector<16xi32>
      %shift_right_arithmetic3A_420 = arith.constant 16 : i32
      %shift_right_arithmetic3A_421 = vector.broadcast %shift_right_arithmetic3A_420 : i32 to vector<16xi32>
      %shift_right_arithmetic3A_422 = arith.shrsi %bitcast_convert_type3A_416, %shift_right_arithmetic3A_421 : vector<16xi32>
      %and3A_423 = arith.constant 1 : i32
      %and3A_424 = vector.broadcast %and3A_423 : i32 to vector<16xi32>
      %and3A_425 = arith.andi %shift_right_arithmetic3A_422, %and3A_424 : vector<16xi32>
      %add3A_426 = arith.addi %add3A_419, %and3A_425 : vector<16xi32>
      %and3A_427 = arith.constant -65536 : i32
      %and3A_428 = vector.broadcast %and3A_427 : i32 to vector<16xi32>
      %and3A_429 = arith.andi %add3A_426, %and3A_428 : vector<16xi32>
      %bitcast_convert_type3A_430 = tpu.bitcast %and3A_429 : vector<16xi32> -> vector<16xf32>
      %swap3A_431 = arith.index_cast %mul3A_359 : i32 to index
      %swap3A_432 = tpu.vector_load %arg12[%swap3A_431] {strides = array<i32>} : memref<4096xf32, #tpu.memory_space<vmem>>, vector<16xf32>,
      %swap3A_433 = vector.shape_cast %swap3A_432 : vector<16xf32> to vector<16xf32>
      %swap3A_434 = vector.shape_cast %bitcast_convert_type3A_430 : vector<16xf32> to vector<16xf32>
      tpu.vector_store %arg12[%swap3A_431], %swap3A_434 {strides = array<i32>} : memref<4096xf32, #tpu.memory_space<vmem>>, vector<16xf32>,
      %broadcast_in_dim3A_435 = arith.constant 0x7F800000 : f32
      %broadcast_in_dim3A_436 = vector.broadcast %broadcast_in_dim3A_435 : f32 to vector<16xf32>
      %swap3A_437 = arith.index_cast %mul3A_359 : i32 to index
      %swap3A_438 = tpu.vector_load %arg14[%swap3A_437] {strides = array<i32>} : memref<4096xf32, #tpu.memory_space<vmem>>, vector<16xf32>,
      %swap3A_439 = vector.shape_cast %swap3A_438 : vector<16xf32> to vector<16xf32>
      %swap3A_440 = vector.shape_cast %broadcast_in_dim3A_436 : vector<16xf32> to vector<16xf32>
      tpu.vector_store %arg14[%swap3A_437], %swap3A_440 {strides = array<i32>} : memref<4096xf32, #tpu.memory_space<vmem>>, vector<16xf32>,
    }
    %scan3A_54 = arith.constant 256 : i32
    %scan3A_55 = arith.constant 0 : i32
    %scan3A_56 = arith.constant 0 : i32
    %scan3A_57 = arith.constant 32 : i32
    %scan3A_58 = arith.addi %scan3A_56, %scan3A_57 : i32
    %scan3A_59 = arith.constant 4 : i32
    scf.for %scan3A_105 = %scan3A_56 to %scan3A_58 step %scan3A_59  : i32 {
      %mul3A_106 = arith.constant 16 : i32
      %mul3A_107 = arith.muli %scan3A_105, %mul3A_106 : i32
      %get3A = arith.index_cast %mul3A_107 : i32 to index
      %get3A_108 = tpu.vector_load %arg6[%get3A] {strides = array<i32>} : memref<528xf32, #tpu.memory_space<vmem>>, vector<16xf32>,
      %get3A_109 = vector.shape_cast %get3A_108 : vector<16xf32> to vector<16xf32>
      %get3A_110 = arith.index_cast %mul3A_107 : i32 to index
      %get3A_111 = tpu.vector_load %arg7[%get3A_110] {strides = array<i32>} : memref<528xf32, #tpu.memory_space<vmem>>, vector<16xf32>,
      %get3A_112 = vector.shape_cast %get3A_111 : vector<16xf32> to vector<16xf32>
      %get3A_113 = arith.index_cast %mul3A_107 : i32 to index
      %get3A_114 = tpu.vector_load %arg8[%get3A_113] {strides = array<i32>} : memref<528xf32, #tpu.memory_space<vmem>>, vector<16xf32>,
      %get3A_115 = vector.shape_cast %get3A_114 : vector<16xf32> to vector<16xf32>
      %mul3A_116 = arith.mulf %get3A_109, %get3A_109 : vector<16xf32>
      %mul3A_117 = arith.mulf %get3A_112, %get3A_112 : vector<16xf32>
      %add3A_118 = arith.addf %mul3A_116, %mul3A_117 : vector<16xf32>
      %mul3A_119 = arith.mulf %get3A_115, %get3A_115 : vector<16xf32>
      %add3A_120 = arith.addf %add3A_118, %mul3A_119 : vector<16xf32>
      %swap3A_121 = arith.index_cast %mul3A_107 : i32 to index
      %swap3A_122 = tpu.vector_load %arg9[%swap3A_121] {strides = array<i32>} : memref<528xf32, #tpu.memory_space<vmem>>, vector<16xf32>,
      %swap3A_123 = vector.shape_cast %swap3A_122 : vector<16xf32> to vector<16xf32>
      %swap3A_124 = vector.shape_cast %add3A_120 : vector<16xf32> to vector<16xf32>
      tpu.vector_store %arg9[%swap3A_121], %swap3A_124 {strides = array<i32>} : memref<528xf32, #tpu.memory_space<vmem>>, vector<16xf32>,
      %bitcast_convert_type3A = tpu.bitcast %get3A_109 : vector<16xf32> -> vector<16xi32>
      %add3A_125 = arith.constant 32767 : i32
      %add3A_126 = vector.broadcast %add3A_125 : i32 to vector<16xi32>
      %add3A_127 = arith.addi %bitcast_convert_type3A, %add3A_126 : vector<16xi32>
      %shift_right_arithmetic3A = arith.constant 16 : i32
      %shift_right_arithmetic3A_128 = vector.broadcast %shift_right_arithmetic3A : i32 to vector<16xi32>
      %shift_right_arithmetic3A_129 = arith.shrsi %bitcast_convert_type3A, %shift_right_arithmetic3A_128 : vector<16xi32>
      %and3A_130 = arith.constant 1 : i32
      %and3A_131 = vector.broadcast %and3A_130 : i32 to vector<16xi32>
      %and3A_132 = arith.andi %shift_right_arithmetic3A_129, %and3A_131 : vector<16xi32>
      %add3A_133 = arith.addi %add3A_127, %and3A_132 : vector<16xi32>
      %and3A_134 = arith.constant -65536 : i32
      %and3A_135 = vector.broadcast %and3A_134 : i32 to vector<16xi32>
      %and3A_136 = arith.andi %add3A_133, %and3A_135 : vector<16xi32>
      %bitcast_convert_type3A_137 = tpu.bitcast %and3A_136 : vector<16xi32> -> vector<16xf32>
      %swap3A_138 = arith.index_cast %mul3A_107 : i32 to index
      %swap3A_139 = tpu.vector_load %arg6[%swap3A_138] {strides = array<i32>} : memref<528xf32, #tpu.memory_space<vmem>>, vector<16xf32>,
      %swap3A_140 = vector.shape_cast %swap3A_139 : vector<16xf32> to vector<16xf32>
      %swap3A_141 = vector.shape_cast %bitcast_convert_type3A_137 : vector<16xf32> to vector<16xf32>
      tpu.vector_store %arg6[%swap3A_138], %swap3A_141 {strides = array<i32>} : memref<528xf32, #tpu.memory_space<vmem>>, vector<16xf32>,
      %bitcast_convert_type3A_142 = tpu.bitcast %get3A_112 : vector<16xf32> -> vector<16xi32>
      %add3A_143 = arith.constant 32767 : i32
      %add3A_144 = vector.broadcast %add3A_143 : i32 to vector<16xi32>
      %add3A_145 = arith.addi %bitcast_convert_type3A_142, %add3A_144 : vector<16xi32>
      %shift_right_arithmetic3A_146 = arith.constant 16 : i32
      %shift_right_arithmetic3A_147 = vector.broadcast %shift_right_arithmetic3A_146 : i32 to vector<16xi32>
      %shift_right_arithmetic3A_148 = arith.shrsi %bitcast_convert_type3A_142, %shift_right_arithmetic3A_147 : vector<16xi32>
      %and3A_149 = arith.constant 1 : i32
      %and3A_150 = vector.broadcast %and3A_149 : i32 to vector<16xi32>
      %and3A_151 = arith.andi %shift_right_arithmetic3A_148, %and3A_150 : vector<16xi32>
      %add3A_152 = arith.addi %add3A_145, %and3A_151 : vector<16xi32>
      %and3A_153 = arith.constant -65536 : i32
      %and3A_154 = vector.broadcast %and3A_153 : i32 to vector<16xi32>
      %and3A_155 = arith.andi %add3A_152, %and3A_154 : vector<16xi32>
      %bitcast_convert_type3A_156 = tpu.bitcast %and3A_155 : vector<16xi32> -> vector<16xf32>
      %swap3A_157 = arith.index_cast %mul3A_107 : i32 to index
      %swap3A_158 = tpu.vector_load %arg7[%swap3A_157] {strides = array<i32>} : memref<528xf32, #tpu.memory_space<vmem>>, vector<16xf32>,
      %swap3A_159 = vector.shape_cast %swap3A_158 : vector<16xf32> to vector<16xf32>
      %swap3A_160 = vector.shape_cast %bitcast_convert_type3A_156 : vector<16xf32> to vector<16xf32>
      tpu.vector_store %arg7[%swap3A_157], %swap3A_160 {strides = array<i32>} : memref<528xf32, #tpu.memory_space<vmem>>, vector<16xf32>,
      %bitcast_convert_type3A_161 = tpu.bitcast %get3A_115 : vector<16xf32> -> vector<16xi32>
      %add3A_162 = arith.constant 32767 : i32
      %add3A_163 = vector.broadcast %add3A_162 : i32 to vector<16xi32>
      %add3A_164 = arith.addi %bitcast_convert_type3A_161, %add3A_163 : vector<16xi32>
      %shift_right_arithmetic3A_165 = arith.constant 16 : i32
      %shift_right_arithmetic3A_166 = vector.broadcast %shift_right_arithmetic3A_165 : i32 to vector<16xi32>
      %shift_right_arithmetic3A_167 = arith.shrsi %bitcast_convert_type3A_161, %shift_right_arithmetic3A_166 : vector<16xi32>
      %and3A_168 = arith.constant 1 : i32
      %and3A_169 = vector.broadcast %and3A_168 : i32 to vector<16xi32>
      %and3A_170 = arith.andi %shift_right_arithmetic3A_167, %and3A_169 : vector<16xi32>
      %add3A_171 = arith.addi %add3A_164, %and3A_170 : vector<16xi32>
      %and3A_172 = arith.constant -65536 : i32
      %and3A_173 = vector.broadcast %and3A_172 : i32 to vector<16xi32>
      %and3A_174 = arith.andi %add3A_171, %and3A_173 : vector<16xi32>
      %bitcast_convert_type3A_175 = tpu.bitcast %and3A_174 : vector<16xi32> -> vector<16xf32>
      %swap3A_176 = arith.index_cast %mul3A_107 : i32 to index
      %swap3A_177 = tpu.vector_load %arg8[%swap3A_176] {strides = array<i32>} : memref<528xf32, #tpu.memory_space<vmem>>, vector<16xf32>,
      %swap3A_178 = vector.shape_cast %swap3A_177 : vector<16xf32> to vector<16xf32>
      %swap3A_179 = vector.shape_cast %bitcast_convert_type3A_175 : vector<16xf32> to vector<16xf32>
      tpu.vector_store %arg8[%swap3A_176], %swap3A_179 {strides = array<i32>} : memref<528xf32, #tpu.memory_space<vmem>>, vector<16xf32>,
      %scan3A_180 = arith.constant 1 : i32
      %scan3A_181 = arith.addi %scan3A_105, %scan3A_180 : i32
      %mul3A_182 = arith.constant 16 : i32
      %mul3A_183 = arith.muli %scan3A_181, %mul3A_182 : i32
      %get3A_184 = arith.index_cast %mul3A_183 : i32 to index
      %get3A_185 = tpu.vector_load %arg6[%get3A_184] {strides = array<i32>} : memref<528xf32, #tpu.memory_space<vmem>>, vector<16xf32>,
      %get3A_186 = vector.shape_cast %get3A_185 : vector<16xf32> to vector<16xf32>
      %get3A_187 = arith.index_cast %mul3A_183 : i32 to index
      %get3A_188 = tpu.vector_load %arg7[%get3A_187] {strides = array<i32>} : memref<528xf32, #tpu.memory_space<vmem>>, vector<16xf32>,
      %get3A_189 = vector.shape_cast %get3A_188 : vector<16xf32> to vector<16xf32>
      %get3A_190 = arith.index_cast %mul3A_183 : i32 to index
      %get3A_191 = tpu.vector_load %arg8[%get3A_190] {strides = array<i32>} : memref<528xf32, #tpu.memory_space<vmem>>, vector<16xf32>,
      %get3A_192 = vector.shape_cast %get3A_191 : vector<16xf32> to vector<16xf32>
      %mul3A_193 = arith.mulf %get3A_186, %get3A_186 : vector<16xf32>
      %mul3A_194 = arith.mulf %get3A_189, %get3A_189 : vector<16xf32>
      %add3A_195 = arith.addf %mul3A_193, %mul3A_194 : vector<16xf32>
      %mul3A_196 = arith.mulf %get3A_192, %get3A_192 : vector<16xf32>
      %add3A_197 = arith.addf %add3A_195, %mul3A_196 : vector<16xf32>
      %swap3A_198 = arith.index_cast %mul3A_183 : i32 to index
      %swap3A_199 = tpu.vector_load %arg9[%swap3A_198] {strides = array<i32>} : memref<528xf32, #tpu.memory_space<vmem>>, vector<16xf32>,
      %swap3A_200 = vector.shape_cast %swap3A_199 : vector<16xf32> to vector<16xf32>
      %swap3A_201 = vector.shape_cast %add3A_197 : vector<16xf32> to vector<16xf32>
      tpu.vector_store %arg9[%swap3A_198], %swap3A_201 {strides = array<i32>} : memref<528xf32, #tpu.memory_space<vmem>>, vector<16xf32>,
      %bitcast_convert_type3A_202 = tpu.bitcast %get3A_186 : vector<16xf32> -> vector<16xi32>
      %add3A_203 = arith.constant 32767 : i32
      %add3A_204 = vector.broadcast %add3A_203 : i32 to vector<16xi32>
      %add3A_205 = arith.addi %bitcast_convert_type3A_202, %add3A_204 : vector<16xi32>
      %shift_right_arithmetic3A_206 = arith.constant 16 : i32
      %shift_right_arithmetic3A_207 = vector.broadcast %shift_right_arithmetic3A_206 : i32 to vector<16xi32>
      %shift_right_arithmetic3A_208 = arith.shrsi %bitcast_convert_type3A_202, %shift_right_arithmetic3A_207 : vector<16xi32>
      %and3A_209 = arith.constant 1 : i32
      %and3A_210 = vector.broadcast %and3A_209 : i32 to vector<16xi32>
      %and3A_211 = arith.andi %shift_right_arithmetic3A_208, %and3A_210 : vector<16xi32>
      %add3A_212 = arith.addi %add3A_205, %and3A_211 : vector<16xi32>
      %and3A_213 = arith.constant -65536 : i32
      %and3A_214 = vector.broadcast %and3A_213 : i32 to vector<16xi32>
      %and3A_215 = arith.andi %add3A_212, %and3A_214 : vector<16xi32>
      %bitcast_convert_type3A_216 = tpu.bitcast %and3A_215 : vector<16xi32> -> vector<16xf32>
      %swap3A_217 = arith.index_cast %mul3A_183 : i32 to index
      %swap3A_218 = tpu.vector_load %arg6[%swap3A_217] {strides = array<i32>} : memref<528xf32, #tpu.memory_space<vmem>>, vector<16xf32>,
      %swap3A_219 = vector.shape_cast %swap3A_218 : vector<16xf32> to vector<16xf32>
      %swap3A_220 = vector.shape_cast %bitcast_convert_type3A_216 : vector<16xf32> to vector<16xf32>
      tpu.vector_store %arg6[%swap3A_217], %swap3A_220 {strides = array<i32>} : memref<528xf32, #tpu.memory_space<vmem>>, vector<16xf32>,
      %bitcast_convert_type3A_221 = tpu.bitcast %get3A_189 : vector<16xf32> -> vector<16xi32>
      %add3A_222 = arith.constant 32767 : i32
      %add3A_223 = vector.broadcast %add3A_222 : i32 to vector<16xi32>
      %add3A_224 = arith.addi %bitcast_convert_type3A_221, %add3A_223 : vector<16xi32>
      %shift_right_arithmetic3A_225 = arith.constant 16 : i32
      %shift_right_arithmetic3A_226 = vector.broadcast %shift_right_arithmetic3A_225 : i32 to vector<16xi32>
      %shift_right_arithmetic3A_227 = arith.shrsi %bitcast_convert_type3A_221, %shift_right_arithmetic3A_226 : vector<16xi32>
      %and3A_228 = arith.constant 1 : i32
      %and3A_229 = vector.broadcast %and3A_228 : i32 to vector<16xi32>
      %and3A_230 = arith.andi %shift_right_arithmetic3A_227, %and3A_229 : vector<16xi32>
      %add3A_231 = arith.addi %add3A_224, %and3A_230 : vector<16xi32>
      %and3A_232 = arith.constant -65536 : i32
      %and3A_233 = vector.broadcast %and3A_232 : i32 to vector<16xi32>
      %and3A_234 = arith.andi %add3A_231, %and3A_233 : vector<16xi32>
      %bitcast_convert_type3A_235 = tpu.bitcast %and3A_234 : vector<16xi32> -> vector<16xf32>
      %swap3A_236 = arith.index_cast %mul3A_183 : i32 to index
      %swap3A_237 = tpu.vector_load %arg7[%swap3A_236] {strides = array<i32>} : memref<528xf32, #tpu.memory_space<vmem>>, vector<16xf32>,
      %swap3A_238 = vector.shape_cast %swap3A_237 : vector<16xf32> to vector<16xf32>
      %swap3A_239 = vector.shape_cast %bitcast_convert_type3A_235 : vector<16xf32> to vector<16xf32>
      tpu.vector_store %arg7[%swap3A_236], %swap3A_239 {strides = array<i32>} : memref<528xf32, #tpu.memory_space<vmem>>, vector<16xf32>,
      %bitcast_convert_type3A_240 = tpu.bitcast %get3A_192 : vector<16xf32> -> vector<16xi32>
      %add3A_241 = arith.constant 32767 : i32
      %add3A_242 = vector.broadcast %add3A_241 : i32 to vector<16xi32>
      %add3A_243 = arith.addi %bitcast_convert_type3A_240, %add3A_242 : vector<16xi32>
      %shift_right_arithmetic3A_244 = arith.constant 16 : i32
      %shift_right_arithmetic3A_245 = vector.broadcast %shift_right_arithmetic3A_244 : i32 to vector<16xi32>
      %shift_right_arithmetic3A_246 = arith.shrsi %bitcast_convert_type3A_240, %shift_right_arithmetic3A_245 : vector<16xi32>
      %and3A_247 = arith.constant 1 : i32
      %and3A_248 = vector.broadcast %and3A_247 : i32 to vector<16xi32>
      %and3A_249 = arith.andi %shift_right_arithmetic3A_246, %and3A_248 : vector<16xi32>
      %add3A_250 = arith.addi %add3A_243, %and3A_249 : vector<16xi32>
      %and3A_251 = arith.constant -65536 : i32
      %and3A_252 = vector.broadcast %and3A_251 : i32 to vector<16xi32>
      %and3A_253 = arith.andi %add3A_250, %and3A_252 : vector<16xi32>
      %bitcast_convert_type3A_254 = tpu.bitcast %and3A_253 : vector<16xi32> -> vector<16xf32>
      %swap3A_255 = arith.index_cast %mul3A_183 : i32 to index
      %swap3A_256 = tpu.vector_load %arg8[%swap3A_255] {strides = array<i32>} : memref<528xf32, #tpu.memory_space<vmem>>, vector<16xf32>,
      %swap3A_257 = vector.shape_cast %swap3A_256 : vector<16xf32> to vector<16xf32>
      %swap3A_258 = vector.shape_cast %bitcast_convert_type3A_254 : vector<16xf32> to vector<16xf32>
      tpu.vector_store %arg8[%swap3A_255], %swap3A_258 {strides = array<i32>} : memref<528xf32, #tpu.memory_space<vmem>>, vector<16xf32>,
      %scan3A_259 = arith.constant 2 : i32
      %scan3A_260 = arith.addi %scan3A_105, %scan3A_259 : i32
      %mul3A_261 = arith.constant 16 : i32
      %mul3A_262 = arith.muli %scan3A_260, %mul3A_261 : i32
      %get3A_263 = arith.index_cast %mul3A_262 : i32 to index
      %get3A_264 = tpu.vector_load %arg6[%get3A_263] {strides = array<i32>} : memref<528xf32, #tpu.memory_space<vmem>>, vector<16xf32>,
      %get3A_265 = vector.shape_cast %get3A_264 : vector<16xf32> to vector<16xf32>
      %get3A_266 = arith.index_cast %mul3A_262 : i32 to index
      %get3A_267 = tpu.vector_load %arg7[%get3A_266] {strides = array<i32>} : memref<528xf32, #tpu.memory_space<vmem>>, vector<16xf32>,
      %get3A_268 = vector.shape_cast %get3A_267 : vector<16xf32> to vector<16xf32>
      %get3A_269 = arith.index_cast %mul3A_262 : i32 to index
      %get3A_270 = tpu.vector_load %arg8[%get3A_269] {strides = array<i32>} : memref<528xf32, #tpu.memory_space<vmem>>, vector<16xf32>,
      %get3A_271 = vector.shape_cast %get3A_270 : vector<16xf32> to vector<16xf32>
      %mul3A_272 = arith.mulf %get3A_265, %get3A_265 : vector<16xf32>
      %mul3A_273 = arith.mulf %get3A_268, %get3A_268 : vector<16xf32>
      %add3A_274 = arith.addf %mul3A_272, %mul3A_273 : vector<16xf32>
      %mul3A_275 = arith.mulf %get3A_271, %get3A_271 : vector<16xf32>
      %add3A_276 = arith.addf %add3A_274, %mul3A_275 : vector<16xf32>
      %swap3A_277 = arith.index_cast %mul3A_262 : i32 to index
      %swap3A_278 = tpu.vector_load %arg9[%swap3A_277] {strides = array<i32>} : memref<528xf32, #tpu.memory_space<vmem>>, vector<16xf32>,
      %swap3A_279 = vector.shape_cast %swap3A_278 : vector<16xf32> to vector<16xf32>
      %swap3A_280 = vector.shape_cast %add3A_276 : vector<16xf32> to vector<16xf32>
      tpu.vector_store %arg9[%swap3A_277], %swap3A_280 {strides = array<i32>} : memref<528xf32, #tpu.memory_space<vmem>>, vector<16xf32>,
      %bitcast_convert_type3A_281 = tpu.bitcast %get3A_265 : vector<16xf32> -> vector<16xi32>
      %add3A_282 = arith.constant 32767 : i32
      %add3A_283 = vector.broadcast %add3A_282 : i32 to vector<16xi32>
      %add3A_284 = arith.addi %bitcast_convert_type3A_281, %add3A_283 : vector<16xi32>
      %shift_right_arithmetic3A_285 = arith.constant 16 : i32
      %shift_right_arithmetic3A_286 = vector.broadcast %shift_right_arithmetic3A_285 : i32 to vector<16xi32>
      %shift_right_arithmetic3A_287 = arith.shrsi %bitcast_convert_type3A_281, %shift_right_arithmetic3A_286 : vector<16xi32>
      %and3A_288 = arith.constant 1 : i32
      %and3A_289 = vector.broadcast %and3A_288 : i32 to vector<16xi32>
      %and3A_290 = arith.andi %shift_right_arithmetic3A_287, %and3A_289 : vector<16xi32>
      %add3A_291 = arith.addi %add3A_284, %and3A_290 : vector<16xi32>
      %and3A_292 = arith.constant -65536 : i32
      %and3A_293 = vector.broadcast %and3A_292 : i32 to vector<16xi32>
      %and3A_294 = arith.andi %add3A_291, %and3A_293 : vector<16xi32>
      %bitcast_convert_type3A_295 = tpu.bitcast %and3A_294 : vector<16xi32> -> vector<16xf32>
      %swap3A_296 = arith.index_cast %mul3A_262 : i32 to index
      %swap3A_297 = tpu.vector_load %arg6[%swap3A_296] {strides = array<i32>} : memref<528xf32, #tpu.memory_space<vmem>>, vector<16xf32>,
      %swap3A_298 = vector.shape_cast %swap3A_297 : vector<16xf32> to vector<16xf32>
      %swap3A_299 = vector.shape_cast %bitcast_convert_type3A_295 : vector<16xf32> to vector<16xf32>
      tpu.vector_store %arg6[%swap3A_296], %swap3A_299 {strides = array<i32>} : memref<528xf32, #tpu.memory_space<vmem>>, vector<16xf32>,
      %bitcast_convert_type3A_300 = tpu.bitcast %get3A_268 : vector<16xf32> -> vector<16xi32>
      %add3A_301 = arith.constant 32767 : i32
      %add3A_302 = vector.broadcast %add3A_301 : i32 to vector<16xi32>
      %add3A_303 = arith.addi %bitcast_convert_type3A_300, %add3A_302 : vector<16xi32>
      %shift_right_arithmetic3A_304 = arith.constant 16 : i32
      %shift_right_arithmetic3A_305 = vector.broadcast %shift_right_arithmetic3A_304 : i32 to vector<16xi32>
      %shift_right_arithmetic3A_306 = arith.shrsi %bitcast_convert_type3A_300, %shift_right_arithmetic3A_305 : vector<16xi32>
      %and3A_307 = arith.constant 1 : i32
      %and3A_308 = vector.broadcast %and3A_307 : i32 to vector<16xi32>
      %and3A_309 = arith.andi %shift_right_arithmetic3A_306, %and3A_308 : vector<16xi32>
      %add3A_310 = arith.addi %add3A_303, %and3A_309 : vector<16xi32>
      %and3A_311 = arith.constant -65536 : i32
      %and3A_312 = vector.broadcast %and3A_311 : i32 to vector<16xi32>
      %and3A_313 = arith.andi %add3A_310, %and3A_312 : vector<16xi32>
      %bitcast_convert_type3A_314 = tpu.bitcast %and3A_313 : vector<16xi32> -> vector<16xf32>
      %swap3A_315 = arith.index_cast %mul3A_262 : i32 to index
      %swap3A_316 = tpu.vector_load %arg7[%swap3A_315] {strides = array<i32>} : memref<528xf32, #tpu.memory_space<vmem>>, vector<16xf32>,
      %swap3A_317 = vector.shape_cast %swap3A_316 : vector<16xf32> to vector<16xf32>
      %swap3A_318 = vector.shape_cast %bitcast_convert_type3A_314 : vector<16xf32> to vector<16xf32>
      tpu.vector_store %arg7[%swap3A_315], %swap3A_318 {strides = array<i32>} : memref<528xf32, #tpu.memory_space<vmem>>, vector<16xf32>,
      %bitcast_convert_type3A_319 = tpu.bitcast %get3A_271 : vector<16xf32> -> vector<16xi32>
      %add3A_320 = arith.constant 32767 : i32
      %add3A_321 = vector.broadcast %add3A_320 : i32 to vector<16xi32>
      %add3A_322 = arith.addi %bitcast_convert_type3A_319, %add3A_321 : vector<16xi32>
      %shift_right_arithmetic3A_323 = arith.constant 16 : i32
      %shift_right_arithmetic3A_324 = vector.broadcast %shift_right_arithmetic3A_323 : i32 to vector<16xi32>
      %shift_right_arithmetic3A_325 = arith.shrsi %bitcast_convert_type3A_319, %shift_right_arithmetic3A_324 : vector<16xi32>
      %and3A_326 = arith.constant 1 : i32
      %and3A_327 = vector.broadcast %and3A_326 : i32 to vector<16xi32>
      %and3A_328 = arith.andi %shift_right_arithmetic3A_325, %and3A_327 : vector<16xi32>
      %add3A_329 = arith.addi %add3A_322, %and3A_328 : vector<16xi32>
      %and3A_330 = arith.constant -65536 : i32
      %and3A_331 = vector.broadcast %and3A_330 : i32 to vector<16xi32>
      %and3A_332 = arith.andi %add3A_329, %and3A_331 : vector<16xi32>
      %bitcast_convert_type3A_333 = tpu.bitcast %and3A_332 : vector<16xi32> -> vector<16xf32>
      %swap3A_334 = arith.index_cast %mul3A_262 : i32 to index
      %swap3A_335 = tpu.vector_load %arg8[%swap3A_334] {strides = array<i32>} : memref<528xf32, #tpu.memory_space<vmem>>, vector<16xf32>,
      %swap3A_336 = vector.shape_cast %swap3A_335 : vector<16xf32> to vector<16xf32>
      %swap3A_337 = vector.shape_cast %bitcast_convert_type3A_333 : vector<16xf32> to vector<16xf32>
      tpu.vector_store %arg8[%swap3A_334], %swap3A_337 {strides = array<i32>} : memref<528xf32, #tpu.memory_space<vmem>>, vector<16xf32>,
      %scan3A_338 = arith.constant 3 : i32
      %scan3A_339 = arith.addi %scan3A_105, %scan3A_338 : i32
      %mul3A_340 = arith.constant 16 : i32
      %mul3A_341 = arith.muli %scan3A_339, %mul3A_340 : i32
      %get3A_342 = arith.index_cast %mul3A_341 : i32 to index
      %get3A_343 = tpu.vector_load %arg6[%get3A_342] {strides = array<i32>} : memref<528xf32, #tpu.memory_space<vmem>>, vector<16xf32>,
      %get3A_344 = vector.shape_cast %get3A_343 : vector<16xf32> to vector<16xf32>
      %get3A_345 = arith.index_cast %mul3A_341 : i32 to index
      %get3A_346 = tpu.vector_load %arg7[%get3A_345] {strides = array<i32>} : memref<528xf32, #tpu.memory_space<vmem>>, vector<16xf32>,
      %get3A_347 = vector.shape_cast %get3A_346 : vector<16xf32> to vector<16xf32>
      %get3A_348 = arith.index_cast %mul3A_341 : i32 to index
      %get3A_349 = tpu.vector_load %arg8[%get3A_348] {strides = array<i32>} : memref<528xf32, #tpu.memory_space<vmem>>, vector<16xf32>,
      %get3A_350 = vector.shape_cast %get3A_349 : vector<16xf32> to vector<16xf32>
      %mul3A_351 = arith.mulf %get3A_344, %get3A_344 : vector<16xf32>
      %mul3A_352 = arith.mulf %get3A_347, %get3A_347 : vector<16xf32>
      %add3A_353 = arith.addf %mul3A_351, %mul3A_352 : vector<16xf32>
      %mul3A_354 = arith.mulf %get3A_350, %get3A_350 : vector<16xf32>
      %add3A_355 = arith.addf %add3A_353, %mul3A_354 : vector<16xf32>
      %swap3A_356 = arith.index_cast %mul3A_341 : i32 to index
      %swap3A_357 = tpu.vector_load %arg9[%swap3A_356] {strides = array<i32>} : memref<528xf32, #tpu.memory_space<vmem>>, vector<16xf32>,
      %swap3A_358 = vector.shape_cast %swap3A_357 : vector<16xf32> to vector<16xf32>
      %swap3A_359 = vector.shape_cast %add3A_355 : vector<16xf32> to vector<16xf32>
      tpu.vector_store %arg9[%swap3A_356], %swap3A_359 {strides = array<i32>} : memref<528xf32, #tpu.memory_space<vmem>>, vector<16xf32>,
      %bitcast_convert_type3A_360 = tpu.bitcast %get3A_344 : vector<16xf32> -> vector<16xi32>
      %add3A_361 = arith.constant 32767 : i32
      %add3A_362 = vector.broadcast %add3A_361 : i32 to vector<16xi32>
      %add3A_363 = arith.addi %bitcast_convert_type3A_360, %add3A_362 : vector<16xi32>
      %shift_right_arithmetic3A_364 = arith.constant 16 : i32
      %shift_right_arithmetic3A_365 = vector.broadcast %shift_right_arithmetic3A_364 : i32 to vector<16xi32>
      %shift_right_arithmetic3A_366 = arith.shrsi %bitcast_convert_type3A_360, %shift_right_arithmetic3A_365 : vector<16xi32>
      %and3A_367 = arith.constant 1 : i32
      %and3A_368 = vector.broadcast %and3A_367 : i32 to vector<16xi32>
      %and3A_369 = arith.andi %shift_right_arithmetic3A_366, %and3A_368 : vector<16xi32>
      %add3A_370 = arith.addi %add3A_363, %and3A_369 : vector<16xi32>
      %and3A_371 = arith.constant -65536 : i32
      %and3A_372 = vector.broadcast %and3A_371 : i32 to vector<16xi32>
      %and3A_373 = arith.andi %add3A_370, %and3A_372 : vector<16xi32>
      %bitcast_convert_type3A_374 = tpu.bitcast %and3A_373 : vector<16xi32> -> vector<16xf32>
      %swap3A_375 = arith.index_cast %mul3A_341 : i32 to index
      %swap3A_376 = tpu.vector_load %arg6[%swap3A_375] {strides = array<i32>} : memref<528xf32, #tpu.memory_space<vmem>>, vector<16xf32>,
      %swap3A_377 = vector.shape_cast %swap3A_376 : vector<16xf32> to vector<16xf32>
      %swap3A_378 = vector.shape_cast %bitcast_convert_type3A_374 : vector<16xf32> to vector<16xf32>
      tpu.vector_store %arg6[%swap3A_375], %swap3A_378 {strides = array<i32>} : memref<528xf32, #tpu.memory_space<vmem>>, vector<16xf32>,
      %bitcast_convert_type3A_379 = tpu.bitcast %get3A_347 : vector<16xf32> -> vector<16xi32>
      %add3A_380 = arith.constant 32767 : i32
      %add3A_381 = vector.broadcast %add3A_380 : i32 to vector<16xi32>
      %add3A_382 = arith.addi %bitcast_convert_type3A_379, %add3A_381 : vector<16xi32>
      %shift_right_arithmetic3A_383 = arith.constant 16 : i32
      %shift_right_arithmetic3A_384 = vector.broadcast %shift_right_arithmetic3A_383 : i32 to vector<16xi32>
      %shift_right_arithmetic3A_385 = arith.shrsi %bitcast_convert_type3A_379, %shift_right_arithmetic3A_384 : vector<16xi32>
      %and3A_386 = arith.constant 1 : i32
      %and3A_387 = vector.broadcast %and3A_386 : i32 to vector<16xi32>
      %and3A_388 = arith.andi %shift_right_arithmetic3A_385, %and3A_387 : vector<16xi32>
      %add3A_389 = arith.addi %add3A_382, %and3A_388 : vector<16xi32>
      %and3A_390 = arith.constant -65536 : i32
      %and3A_391 = vector.broadcast %and3A_390 : i32 to vector<16xi32>
      %and3A_392 = arith.andi %add3A_389, %and3A_391 : vector<16xi32>
      %bitcast_convert_type3A_393 = tpu.bitcast %and3A_392 : vector<16xi32> -> vector<16xf32>
      %swap3A_394 = arith.index_cast %mul3A_341 : i32 to index
      %swap3A_395 = tpu.vector_load %arg7[%swap3A_394] {strides = array<i32>} : memref<528xf32, #tpu.memory_space<vmem>>, vector<16xf32>,
      %swap3A_396 = vector.shape_cast %swap3A_395 : vector<16xf32> to vector<16xf32>
      %swap3A_397 = vector.shape_cast %bitcast_convert_type3A_393 : vector<16xf32> to vector<16xf32>
      tpu.vector_store %arg7[%swap3A_394], %swap3A_397 {strides = array<i32>} : memref<528xf32, #tpu.memory_space<vmem>>, vector<16xf32>,
      %bitcast_convert_type3A_398 = tpu.bitcast %get3A_350 : vector<16xf32> -> vector<16xi32>
      %add3A_399 = arith.constant 32767 : i32
      %add3A_400 = vector.broadcast %add3A_399 : i32 to vector<16xi32>
      %add3A_401 = arith.addi %bitcast_convert_type3A_398, %add3A_400 : vector<16xi32>
      %shift_right_arithmetic3A_402 = arith.constant 16 : i32
      %shift_right_arithmetic3A_403 = vector.broadcast %shift_right_arithmetic3A_402 : i32 to vector<16xi32>
      %shift_right_arithmetic3A_404 = arith.shrsi %bitcast_convert_type3A_398, %shift_right_arithmetic3A_403 : vector<16xi32>
      %and3A_405 = arith.constant 1 : i32
      %and3A_406 = vector.broadcast %and3A_405 : i32 to vector<16xi32>
      %and3A_407 = arith.andi %shift_right_arithmetic3A_404, %and3A_406 : vector<16xi32>
      %add3A_408 = arith.addi %add3A_401, %and3A_407 : vector<16xi32>
      %and3A_409 = arith.constant -65536 : i32
      %and3A_410 = vector.broadcast %and3A_409 : i32 to vector<16xi32>
      %and3A_411 = arith.andi %add3A_408, %and3A_410 : vector<16xi32>
      %bitcast_convert_type3A_412 = tpu.bitcast %and3A_411 : vector<16xi32> -> vector<16xf32>
      %swap3A_413 = arith.index_cast %mul3A_341 : i32 to index
      %swap3A_414 = tpu.vector_load %arg8[%swap3A_413] {strides = array<i32>} : memref<528xf32, #tpu.memory_space<vmem>>, vector<16xf32>,
      %swap3A_415 = vector.shape_cast %swap3A_414 : vector<16xf32> to vector<16xf32>
      %swap3A_416 = vector.shape_cast %bitcast_convert_type3A_412 : vector<16xf32> to vector<16xf32>
      tpu.vector_store %arg8[%swap3A_413], %swap3A_416 {strides = array<i32>} : memref<528xf32, #tpu.memory_space<vmem>>, vector<16xf32>,
    }
    %scan3A_60 = arith.constant 32 : i32
    %broadcast_in_dim3A = arith.constant 0.000000e+00 : f32
    %broadcast_in_dim3A_61 = vector.broadcast %broadcast_in_dim3A : f32 to vector<16xf32>
    %swap3A = arith.constant 512 : index
    %swap3A_62 = tpu.vector_load %arg6[%swap3A] {strides = array<i32>} : memref<528xf32, #tpu.memory_space<vmem>>, vector<16xf32>,
    %swap3A_63 = vector.shape_cast %swap3A_62 : vector<16xf32> to vector<16xf32>
    %swap3A_64 = vector.shape_cast %broadcast_in_dim3A_61 : vector<16xf32> to vector<16xf32>
    tpu.vector_store %arg6[%swap3A], %swap3A_64 {strides = array<i32>} : memref<528xf32, #tpu.memory_space<vmem>>, vector<16xf32>,
    %broadcast_in_dim3A_65 = arith.constant 0.000000e+00 : f32
    %broadcast_in_dim3A_66 = vector.broadcast %broadcast_in_dim3A_65 : f32 to vector<16xf32>
    %swap3A_67 = arith.constant 512 : index
    %swap3A_68 = tpu.vector_load %arg7[%swap3A_67] {strides = array<i32>} : memref<528xf32, #tpu.memory_space<vmem>>, vector<16xf32>,
    %swap3A_69 = vector.shape_cast %swap3A_68 : vector<16xf32> to vector<16xf32>
    %swap3A_70 = vector.shape_cast %broadcast_in_dim3A_66 : vector<16xf32> to vector<16xf32>
    tpu.vector_store %arg7[%swap3A_67], %swap3A_70 {strides = array<i32>} : memref<528xf32, #tpu.memory_space<vmem>>, vector<16xf32>,
    %broadcast_in_dim3A_71 = arith.constant 0.000000e+00 : f32
    %broadcast_in_dim3A_72 = vector.broadcast %broadcast_in_dim3A_71 : f32 to vector<16xf32>
    %swap3A_73 = arith.constant 512 : index
    %swap3A_74 = tpu.vector_load %arg8[%swap3A_73] {strides = array<i32>} : memref<528xf32, #tpu.memory_space<vmem>>, vector<16xf32>,
    %swap3A_75 = vector.shape_cast %swap3A_74 : vector<16xf32> to vector<16xf32>
    %swap3A_76 = vector.shape_cast %broadcast_in_dim3A_72 : vector<16xf32> to vector<16xf32>
    tpu.vector_store %arg8[%swap3A_73], %swap3A_76 {strides = array<i32>} : memref<528xf32, #tpu.memory_space<vmem>>, vector<16xf32>,
    %broadcast_in_dim3A_77 = arith.constant 0.000000e+00 : f32
    %broadcast_in_dim3A_78 = vector.broadcast %broadcast_in_dim3A_77 : f32 to vector<16xf32>
    %swap3A_79 = arith.constant 512 : index
    %swap3A_80 = tpu.vector_load %arg9[%swap3A_79] {strides = array<i32>} : memref<528xf32, #tpu.memory_space<vmem>>, vector<16xf32>,
    %swap3A_81 = vector.shape_cast %swap3A_80 : vector<16xf32> to vector<16xf32>
    %swap3A_82 = vector.shape_cast %broadcast_in_dim3A_78 : vector<16xf32> to vector<16xf32>
    tpu.vector_store %arg9[%swap3A_79], %swap3A_82 {strides = array<i32>} : memref<528xf32, #tpu.memory_space<vmem>>, vector<16xf32>,
    %scan3A_83 = arith.constant 0.000000e+00 : f32
    %scan3A_84 = arith.constant 0 : i32
    %scan3A_85 = arith.constant 512 : i32
    %scan3A_86 = arith.addi %scan3A_84, %scan3A_85 : i32
    %scan3A_87 = arith.constant 1 : i32
    %scan3A_88 = scf.for %scan3A_105 = %scan3A_84 to %scan3A_86 step %scan3A_87 iter_args(%scan3A_106 = %scan3A_83) -> (f32)  : i32 {
      %get3A = arith.index_cast %scan3A_105 : i32 to index
      %get3A_107 = tpu.vector_load %arg6[%get3A] {strides = array<i32>} : memref<528xf32, #tpu.memory_space<vmem>>, vector<16xf32>,
      %get3A_108 = vector.shape_cast %get3A_107 : vector<16xf32> to vector<16xf32>
      %slice3A = vector.extract_strided_slice %get3A_108 {offsets = [0], sizes = [1], strides = [1]} : vector<16xf32> to vector<1xf32>
      %squeeze3A = vector.extract %slice3A[0] : f32 from vector<1xf32>
      %get3A_109 = arith.index_cast %scan3A_105 : i32 to index
      %get3A_110 = tpu.vector_load %arg7[%get3A_109] {strides = array<i32>} : memref<528xf32, #tpu.memory_space<vmem>>, vector<16xf32>,
      %get3A_111 = vector.shape_cast %get3A_110 : vector<16xf32> to vector<16xf32>
      %slice3A_112 = vector.extract_strided_slice %get3A_111 {offsets = [0], sizes = [1], strides = [1]} : vector<16xf32> to vector<1xf32>
      %squeeze3A_113 = vector.extract %slice3A_112[0] : f32 from vector<1xf32>
      %get3A_114 = arith.index_cast %scan3A_105 : i32 to index
      %get3A_115 = tpu.vector_load %arg8[%get3A_114] {strides = array<i32>} : memref<528xf32, #tpu.memory_space<vmem>>, vector<16xf32>,
      %get3A_116 = vector.shape_cast %get3A_115 : vector<16xf32> to vector<16xf32>
      %slice3A_117 = vector.extract_strided_slice %get3A_116 {offsets = [0], sizes = [1], strides = [1]} : vector<16xf32> to vector<1xf32>
      %squeeze3A_118 = vector.extract %slice3A_117[0] : f32 from vector<1xf32>
      %get3A_119 = arith.index_cast %scan3A_105 : i32 to index
      %get3A_120 = tpu.vector_load %arg9[%get3A_119] {strides = array<i32>} : memref<528xf32, #tpu.memory_space<vmem>>, vector<16xf32>,
      %get3A_121 = vector.shape_cast %get3A_120 : vector<16xf32> to vector<16xf32>
      %slice3A_122 = vector.extract_strided_slice %get3A_121 {offsets = [0], sizes = [1], strides = [1]} : vector<16xf32> to vector<1xf32>
      %squeeze3A_123 = vector.extract %slice3A_122[0] : f32 from vector<1xf32>
      %broadcast_in_dim3A_124 = arith.constant 0x7F800000 : f32
      %broadcast_in_dim3A_125 = vector.broadcast %broadcast_in_dim3A_124 : f32 to vector<16xf32>
      %scan3A_126 = arith.constant 0 : i32
      %scan3A_127 = arith.constant 256 : i32
      %scan3A_128 = arith.addi %scan3A_126, %scan3A_127 : i32
      %scan3A_129 = arith.constant 4 : i32
      %scan3A_130 = scf.for %scan3A_164 = %scan3A_126 to %scan3A_128 step %scan3A_129 iter_args(%scan3A_165 = %broadcast_in_dim3A_125) -> (vector<16xf32>)  : i32 {
        %mul3A_166 = arith.constant 16 : i32
        %mul3A_167 = arith.muli %scan3A_164, %mul3A_166 : i32
        %get3A_168 = arith.index_cast %mul3A_167 : i32 to index
        %get3A_169 = tpu.vector_load %arg10[%get3A_168] {strides = array<i32>} : memref<4096xf32, #tpu.memory_space<vmem>>, vector<16xf32>,
        %get3A_170 = vector.shape_cast %get3A_169 : vector<16xf32> to vector<16xf32>
        %mul3A_171 = vector.broadcast %squeeze3A : f32 to vector<16xf32>
        %mul3A_172 = arith.mulf %get3A_170, %mul3A_171 : vector<16xf32>
        %get3A_173 = arith.index_cast %mul3A_167 : i32 to index
        %get3A_174 = tpu.vector_load %arg11[%get3A_173] {strides = array<i32>} : memref<4096xf32, #tpu.memory_space<vmem>>, vector<16xf32>,
        %get3A_175 = vector.shape_cast %get3A_174 : vector<16xf32> to vector<16xf32>
        %mul3A_176 = vector.broadcast %squeeze3A_113 : f32 to vector<16xf32>
        %mul3A_177 = arith.mulf %get3A_175, %mul3A_176 : vector<16xf32>
        %add3A_178 = arith.addf %mul3A_172, %mul3A_177 : vector<16xf32>
        %get3A_179 = arith.index_cast %mul3A_167 : i32 to index
        %get3A_180 = tpu.vector_load %arg12[%get3A_179] {strides = array<i32>} : memref<4096xf32, #tpu.memory_space<vmem>>, vector<16xf32>,
        %get3A_181 = vector.shape_cast %get3A_180 : vector<16xf32> to vector<16xf32>
        %mul3A_182 = vector.broadcast %squeeze3A_118 : f32 to vector<16xf32>
        %mul3A_183 = arith.mulf %get3A_181, %mul3A_182 : vector<16xf32>
        %add3A_184 = arith.addf %add3A_178, %mul3A_183 : vector<16xf32>
        %get3A_185 = arith.index_cast %mul3A_167 : i32 to index
        %get3A_186 = tpu.vector_load %arg13[%get3A_185] {strides = array<i32>} : memref<4096xf32, #tpu.memory_space<vmem>>, vector<16xf32>,
        %get3A_187 = vector.shape_cast %get3A_186 : vector<16xf32> to vector<16xf32>
        %mul3A_188 = arith.constant 2.000000e+00 : f32
        %mul3A_189 = vector.broadcast %mul3A_188 : f32 to vector<16xf32>
        %mul3A_190 = arith.mulf %mul3A_189, %add3A_184 : vector<16xf32>
        %sub3A_191 = arith.subf %get3A_187, %mul3A_190 : vector<16xf32>
        %min3A_192 = arith.minimumf %scan3A_165, %sub3A_191 : vector<16xf32>
        %get3A_193 = arith.index_cast %mul3A_167 : i32 to index
        %get3A_194 = tpu.vector_load %arg14[%get3A_193] {strides = array<i32>} : memref<4096xf32, #tpu.memory_space<vmem>>, vector<16xf32>,
        %get3A_195 = vector.shape_cast %get3A_194 : vector<16xf32> to vector<16xf32>
        %add3A_196 = vector.broadcast %squeeze3A_123 : f32 to vector<16xf32>
        %add3A_197 = arith.addf %sub3A_191, %add3A_196 : vector<16xf32>
        %min3A_198 = arith.minimumf %get3A_195, %add3A_197 : vector<16xf32>
        %swap3A_199 = arith.index_cast %mul3A_167 : i32 to index
        %swap3A_200 = tpu.vector_load %arg14[%swap3A_199] {strides = array<i32>} : memref<4096xf32, #tpu.memory_space<vmem>>, vector<16xf32>,
        %swap3A_201 = vector.shape_cast %swap3A_200 : vector<16xf32> to vector<16xf32>
        %swap3A_202 = vector.shape_cast %min3A_198 : vector<16xf32> to vector<16xf32>
        tpu.vector_store %arg14[%swap3A_199], %swap3A_202 {strides = array<i32>} : memref<4096xf32, #tpu.memory_space<vmem>>, vector<16xf32>,
        %scan3A_203 = arith.constant 1 : i32
        %scan3A_204 = arith.addi %scan3A_164, %scan3A_203 : i32
        %mul3A_205 = arith.constant 16 : i32
        %mul3A_206 = arith.muli %scan3A_204, %mul3A_205 : i32
        %get3A_207 = arith.index_cast %mul3A_206 : i32 to index
        %get3A_208 = tpu.vector_load %arg10[%get3A_207] {strides = array<i32>} : memref<4096xf32, #tpu.memory_space<vmem>>, vector<16xf32>,
        %get3A_209 = vector.shape_cast %get3A_208 : vector<16xf32> to vector<16xf32>
        %mul3A_210 = vector.broadcast %squeeze3A : f32 to vector<16xf32>
        %mul3A_211 = arith.mulf %get3A_209, %mul3A_210 : vector<16xf32>
        %get3A_212 = arith.index_cast %mul3A_206 : i32 to index
        %get3A_213 = tpu.vector_load %arg11[%get3A_212] {strides = array<i32>} : memref<4096xf32, #tpu.memory_space<vmem>>, vector<16xf32>,
        %get3A_214 = vector.shape_cast %get3A_213 : vector<16xf32> to vector<16xf32>
        %mul3A_215 = vector.broadcast %squeeze3A_113 : f32 to vector<16xf32>
        %mul3A_216 = arith.mulf %get3A_214, %mul3A_215 : vector<16xf32>
        %add3A_217 = arith.addf %mul3A_211, %mul3A_216 : vector<16xf32>
        %get3A_218 = arith.index_cast %mul3A_206 : i32 to index
        %get3A_219 = tpu.vector_load %arg12[%get3A_218] {strides = array<i32>} : memref<4096xf32, #tpu.memory_space<vmem>>, vector<16xf32>,
        %get3A_220 = vector.shape_cast %get3A_219 : vector<16xf32> to vector<16xf32>
        %mul3A_221 = vector.broadcast %squeeze3A_118 : f32 to vector<16xf32>
        %mul3A_222 = arith.mulf %get3A_220, %mul3A_221 : vector<16xf32>
        %add3A_223 = arith.addf %add3A_217, %mul3A_222 : vector<16xf32>
        %get3A_224 = arith.index_cast %mul3A_206 : i32 to index
        %get3A_225 = tpu.vector_load %arg13[%get3A_224] {strides = array<i32>} : memref<4096xf32, #tpu.memory_space<vmem>>, vector<16xf32>,
        %get3A_226 = vector.shape_cast %get3A_225 : vector<16xf32> to vector<16xf32>
        %mul3A_227 = arith.constant 2.000000e+00 : f32
        %mul3A_228 = vector.broadcast %mul3A_227 : f32 to vector<16xf32>
        %mul3A_229 = arith.mulf %mul3A_228, %add3A_223 : vector<16xf32>
        %sub3A_230 = arith.subf %get3A_226, %mul3A_229 : vector<16xf32>
        %min3A_231 = arith.minimumf %min3A_192, %sub3A_230 : vector<16xf32>
        %get3A_232 = arith.index_cast %mul3A_206 : i32 to index
        %get3A_233 = tpu.vector_load %arg14[%get3A_232] {strides = array<i32>} : memref<4096xf32, #tpu.memory_space<vmem>>, vector<16xf32>,
        %get3A_234 = vector.shape_cast %get3A_233 : vector<16xf32> to vector<16xf32>
        %add3A_235 = vector.broadcast %squeeze3A_123 : f32 to vector<16xf32>
        %add3A_236 = arith.addf %sub3A_230, %add3A_235 : vector<16xf32>
        %min3A_237 = arith.minimumf %get3A_234, %add3A_236 : vector<16xf32>
        %swap3A_238 = arith.index_cast %mul3A_206 : i32 to index
        %swap3A_239 = tpu.vector_load %arg14[%swap3A_238] {strides = array<i32>} : memref<4096xf32, #tpu.memory_space<vmem>>, vector<16xf32>,
        %swap3A_240 = vector.shape_cast %swap3A_239 : vector<16xf32> to vector<16xf32>
        %swap3A_241 = vector.shape_cast %min3A_237 : vector<16xf32> to vector<16xf32>
        tpu.vector_store %arg14[%swap3A_238], %swap3A_241 {strides = array<i32>} : memref<4096xf32, #tpu.memory_space<vmem>>, vector<16xf32>,
        %scan3A_242 = arith.constant 2 : i32
        %scan3A_243 = arith.addi %scan3A_164, %scan3A_242 : i32
        %mul3A_244 = arith.constant 16 : i32
        %mul3A_245 = arith.muli %scan3A_243, %mul3A_244 : i32
        %get3A_246 = arith.index_cast %mul3A_245 : i32 to index
        %get3A_247 = tpu.vector_load %arg10[%get3A_246] {strides = array<i32>} : memref<4096xf32, #tpu.memory_space<vmem>>, vector<16xf32>,
        %get3A_248 = vector.shape_cast %get3A_247 : vector<16xf32> to vector<16xf32>
        %mul3A_249 = vector.broadcast %squeeze3A : f32 to vector<16xf32>
        %mul3A_250 = arith.mulf %get3A_248, %mul3A_249 : vector<16xf32>
        %get3A_251 = arith.index_cast %mul3A_245 : i32 to index
        %get3A_252 = tpu.vector_load %arg11[%get3A_251] {strides = array<i32>} : memref<4096xf32, #tpu.memory_space<vmem>>, vector<16xf32>,
        %get3A_253 = vector.shape_cast %get3A_252 : vector<16xf32> to vector<16xf32>
        %mul3A_254 = vector.broadcast %squeeze3A_113 : f32 to vector<16xf32>
        %mul3A_255 = arith.mulf %get3A_253, %mul3A_254 : vector<16xf32>
        %add3A_256 = arith.addf %mul3A_250, %mul3A_255 : vector<16xf32>
        %get3A_257 = arith.index_cast %mul3A_245 : i32 to index
        %get3A_258 = tpu.vector_load %arg12[%get3A_257] {strides = array<i32>} : memref<4096xf32, #tpu.memory_space<vmem>>, vector<16xf32>,
        %get3A_259 = vector.shape_cast %get3A_258 : vector<16xf32> to vector<16xf32>
        %mul3A_260 = vector.broadcast %squeeze3A_118 : f32 to vector<16xf32>
        %mul3A_261 = arith.mulf %get3A_259, %mul3A_260 : vector<16xf32>
        %add3A_262 = arith.addf %add3A_256, %mul3A_261 : vector<16xf32>
        %get3A_263 = arith.index_cast %mul3A_245 : i32 to index
        %get3A_264 = tpu.vector_load %arg13[%get3A_263] {strides = array<i32>} : memref<4096xf32, #tpu.memory_space<vmem>>, vector<16xf32>,
        %get3A_265 = vector.shape_cast %get3A_264 : vector<16xf32> to vector<16xf32>
        %mul3A_266 = arith.constant 2.000000e+00 : f32
        %mul3A_267 = vector.broadcast %mul3A_266 : f32 to vector<16xf32>
        %mul3A_268 = arith.mulf %mul3A_267, %add3A_262 : vector<16xf32>
        %sub3A_269 = arith.subf %get3A_265, %mul3A_268 : vector<16xf32>
        %min3A_270 = arith.minimumf %min3A_231, %sub3A_269 : vector<16xf32>
        %get3A_271 = arith.index_cast %mul3A_245 : i32 to index
        %get3A_272 = tpu.vector_load %arg14[%get3A_271] {strides = array<i32>} : memref<4096xf32, #tpu.memory_space<vmem>>, vector<16xf32>,
        %get3A_273 = vector.shape_cast %get3A_272 : vector<16xf32> to vector<16xf32>
        %add3A_274 = vector.broadcast %squeeze3A_123 : f32 to vector<16xf32>
        %add3A_275 = arith.addf %sub3A_269, %add3A_274 : vector<16xf32>
        %min3A_276 = arith.minimumf %get3A_273, %add3A_275 : vector<16xf32>
        %swap3A_277 = arith.index_cast %mul3A_245 : i32 to index
        %swap3A_278 = tpu.vector_load %arg14[%swap3A_277] {strides = array<i32>} : memref<4096xf32, #tpu.memory_space<vmem>>, vector<16xf32>,
        %swap3A_279 = vector.shape_cast %swap3A_278 : vector<16xf32> to vector<16xf32>
        %swap3A_280 = vector.shape_cast %min3A_276 : vector<16xf32> to vector<16xf32>
        tpu.vector_store %arg14[%swap3A_277], %swap3A_280 {strides = array<i32>} : memref<4096xf32, #tpu.memory_space<vmem>>, vector<16xf32>,
        %scan3A_281 = arith.constant 3 : i32
        %scan3A_282 = arith.addi %scan3A_164, %scan3A_281 : i32
        %mul3A_283 = arith.constant 16 : i32
        %mul3A_284 = arith.muli %scan3A_282, %mul3A_283 : i32
        %get3A_285 = arith.index_cast %mul3A_284 : i32 to index
        %get3A_286 = tpu.vector_load %arg10[%get3A_285] {strides = array<i32>} : memref<4096xf32, #tpu.memory_space<vmem>>, vector<16xf32>,
        %get3A_287 = vector.shape_cast %get3A_286 : vector<16xf32> to vector<16xf32>
        %mul3A_288 = vector.broadcast %squeeze3A : f32 to vector<16xf32>
        %mul3A_289 = arith.mulf %get3A_287, %mul3A_288 : vector<16xf32>
        %get3A_290 = arith.index_cast %mul3A_284 : i32 to index
        %get3A_291 = tpu.vector_load %arg11[%get3A_290] {strides = array<i32>} : memref<4096xf32, #tpu.memory_space<vmem>>, vector<16xf32>,
        %get3A_292 = vector.shape_cast %get3A_291 : vector<16xf32> to vector<16xf32>
        %mul3A_293 = vector.broadcast %squeeze3A_113 : f32 to vector<16xf32>
        %mul3A_294 = arith.mulf %get3A_292, %mul3A_293 : vector<16xf32>
        %add3A_295 = arith.addf %mul3A_289, %mul3A_294 : vector<16xf32>
        %get3A_296 = arith.index_cast %mul3A_284 : i32 to index
        %get3A_297 = tpu.vector_load %arg12[%get3A_296] {strides = array<i32>} : memref<4096xf32, #tpu.memory_space<vmem>>, vector<16xf32>,
        %get3A_298 = vector.shape_cast %get3A_297 : vector<16xf32> to vector<16xf32>
        %mul3A_299 = vector.broadcast %squeeze3A_118 : f32 to vector<16xf32>
        %mul3A_300 = arith.mulf %get3A_298, %mul3A_299 : vector<16xf32>
        %add3A_301 = arith.addf %add3A_295, %mul3A_300 : vector<16xf32>
        %get3A_302 = arith.index_cast %mul3A_284 : i32 to index
        %get3A_303 = tpu.vector_load %arg13[%get3A_302] {strides = array<i32>} : memref<4096xf32, #tpu.memory_space<vmem>>, vector<16xf32>,
        %get3A_304 = vector.shape_cast %get3A_303 : vector<16xf32> to vector<16xf32>
        %mul3A_305 = arith.constant 2.000000e+00 : f32
        %mul3A_306 = vector.broadcast %mul3A_305 : f32 to vector<16xf32>
        %mul3A_307 = arith.mulf %mul3A_306, %add3A_301 : vector<16xf32>
        %sub3A_308 = arith.subf %get3A_304, %mul3A_307 : vector<16xf32>
        %min3A_309 = arith.minimumf %min3A_270, %sub3A_308 : vector<16xf32>
        %get3A_310 = arith.index_cast %mul3A_284 : i32 to index
        %get3A_311 = tpu.vector_load %arg14[%get3A_310] {strides = array<i32>} : memref<4096xf32, #tpu.memory_space<vmem>>, vector<16xf32>,
        %get3A_312 = vector.shape_cast %get3A_311 : vector<16xf32> to vector<16xf32>
        %add3A_313 = vector.broadcast %squeeze3A_123 : f32 to vector<16xf32>
        %add3A_314 = arith.addf %sub3A_308, %add3A_313 : vector<16xf32>
        %min3A_315 = arith.minimumf %get3A_312, %add3A_314 : vector<16xf32>
        %swap3A_316 = arith.index_cast %mul3A_284 : i32 to index
        %swap3A_317 = tpu.vector_load %arg14[%swap3A_316] {strides = array<i32>} : memref<4096xf32, #tpu.memory_space<vmem>>, vector<16xf32>,
        %swap3A_318 = vector.shape_cast %swap3A_317 : vector<16xf32> to vector<16xf32>
        %swap3A_319 = vector.shape_cast %min3A_315 : vector<16xf32> to vector<16xf32>
        tpu.vector_store %arg14[%swap3A_316], %swap3A_319 {strides = array<i32>} : memref<4096xf32, #tpu.memory_space<vmem>>, vector<16xf32>,
        scf.yield %min3A_309 : vector<16xf32>
      }
      %scan3A_131 = arith.constant 256 : i32
      %iota3A_132 = tpu.iota {dimensions = array<i32: 0>} : vector<16xi32>
      %xor3A = arith.constant 8 : i32
      %xor3A_133 = vector.broadcast %xor3A : i32 to vector<16xi32>
      %xor3A_134 = arith.xori %iota3A_132, %xor3A_133 : vector<16xi32>
      %reshape3A = vector.shape_cast %xor3A_134 : vector<16xi32> to vector<16x1xi32>
      %gather3A = vector.shape_cast %reshape3A : vector<16x1xi32> to vector<16xi32>
      %gather3A_135 = tpu.dynamic_gather %scan3A_130[%gather3A] in [0] : vector<16xf32>, vector<16xi32> -> vector<16xf32>
      %min3A = arith.minimumf %scan3A_130, %gather3A_135 : vector<16xf32>
      %iota3A_136 = tpu.iota {dimensions = array<i32: 0>} : vector<16xi32>
      %xor3A_137 = arith.constant 4 : i32
      %xor3A_138 = vector.broadcast %xor3A_137 : i32 to vector<16xi32>
      %xor3A_139 = arith.xori %iota3A_136, %xor3A_138 : vector<16xi32>
      %reshape3A_140 = vector.shape_cast %xor3A_139 : vector<16xi32> to vector<16x1xi32>
      %gather3A_141 = vector.shape_cast %reshape3A_140 : vector<16x1xi32> to vector<16xi32>
      %gather3A_142 = tpu.dynamic_gather %min3A[%gather3A_141] in [0] : vector<16xf32>, vector<16xi32> -> vector<16xf32>
      %min3A_143 = arith.minimumf %min3A, %gather3A_142 : vector<16xf32>
      %iota3A_144 = tpu.iota {dimensions = array<i32: 0>} : vector<16xi32>
      %xor3A_145 = arith.constant 2 : i32
      %xor3A_146 = vector.broadcast %xor3A_145 : i32 to vector<16xi32>
      %xor3A_147 = arith.xori %iota3A_144, %xor3A_146 : vector<16xi32>
      %reshape3A_148 = vector.shape_cast %xor3A_147 : vector<16xi32> to vector<16x1xi32>
      %gather3A_149 = vector.shape_cast %reshape3A_148 : vector<16x1xi32> to vector<16xi32>
      %gather3A_150 = tpu.dynamic_gather %min3A_143[%gather3A_149] in [0] : vector<16xf32>, vector<16xi32> -> vector<16xf32>
      %min3A_151 = arith.minimumf %min3A_143, %gather3A_150 : vector<16xf32>
      %iota3A_152 = tpu.iota {dimensions = array<i32: 0>} : vector<16xi32>
      %xor3A_153 = arith.constant 1 : i32
      %xor3A_154 = vector.broadcast %xor3A_153 : i32 to vector<16xi32>
      %xor3A_155 = arith.xori %iota3A_152, %xor3A_154 : vector<16xi32>
      %reshape3A_156 = vector.shape_cast %xor3A_155 : vector<16xi32> to vector<16x1xi32>
      %gather3A_157 = vector.shape_cast %reshape3A_156 : vector<16x1xi32> to vector<16xi32>
      %gather3A_158 = tpu.dynamic_gather %min3A_151[%gather3A_157] in [0] : vector<16xf32>, vector<16xi32> -> vector<16xf32>
      %min3A_159 = arith.minimumf %min3A_151, %gather3A_158 : vector<16xf32>
      %slice3A_160 = vector.extract_strided_slice %min3A_159 {offsets = [0], sizes = [1], strides = [1]} : vector<16xf32> to vector<1xf32>
      %squeeze3A_161 = vector.extract %slice3A_160[0] : f32 from vector<1xf32>
      %add3A_162 = arith.addf %squeeze3A_123, %squeeze3A_161 : f32
      %add3A_163 = arith.addf %scan3A_106, %add3A_162 : f32
      scf.yield %add3A_163 : f32
    }
    %scan3A_89 = arith.constant 512 : i32
    %iota3A = tpu.iota {dimensions = array<i32: 0>} : vector<16xi32>
    %eq3A_90 = arith.constant 0 : i32
    %eq3A_91 = vector.broadcast %eq3A_90 : i32 to vector<16xi32>
    %eq3A_92 = arith.cmpi eq, %iota3A, %eq3A_91 : vector<16xi32>
    %jit3A_93 = arith.constant 0.000000e+00 : f32
    %broadcast_in_dim3A_94 = vector.broadcast %scan3A_88 : f32 to vector<16xf32>
    %broadcast_in_dim3A_95 = vector.broadcast %jit3A_93 : f32 to vector<16xf32>
    %select_n3A_96 = arith.select %eq3A_92, %broadcast_in_dim3A_94, %broadcast_in_dim3A_95 : vector<16xi1>, vector<16xf32>
    %swap3A_97 = arith.constant 0 : index
    %swap3A_98 = tpu.vector_load %arg15[%swap3A_97] {strides = array<i32>} : memref<16xf32, #tpu.memory_space<vmem>>, vector<16xf32>,
    %swap3A_99 = vector.shape_cast %swap3A_98 : vector<16xf32> to vector<16xf32>
    %swap3A_100 = vector.shape_cast %select_n3A_96 : vector<16xf32> to vector<16xf32>
    tpu.vector_store %arg15[%swap3A_97], %swap3A_100 {strides = array<i32>} : memref<16xf32, #tpu.memory_space<vmem>>, vector<16xf32>,
    %mul3A_101 = arith.constant 16 : i32
    %mul3A_102 = arith.muli %add3A, %mul3A_101 : i32
    "tpu.region"() ({
      %run_scoped3A = tpu.sem_alloc : memref<!tpu.dma_semaphore, #tpu.memory_space<semaphore_mem>>
      %dma_start3A = tpu.memref_slice %arg4[%mul3A_102] : memref<512xf32, #tpu.memory_space<hbm>> -> memref<16xf32, #tpu.memory_space<hbm>>
      %dma_start3A_105 = tpu.memref_slice %arg4[%mul3A_102] : memref<512xf32, #tpu.memory_space<hbm>> -> memref<16xf32, #tpu.memory_space<hbm>>
      tpu.enqueue_dma source(%arg15 : memref<16xf32, #tpu.memory_space<vmem>>) target(%dma_start3A_105 : memref<16xf32, #tpu.memory_space<hbm>>) target_semaphore(%run_scoped3A : memref<!tpu.dma_semaphore, #tpu.memory_space<semaphore_mem>>)
      %dma_wait3A = tpu.memref_slice %arg4[%mul3A_102] : memref<512xf32, #tpu.memory_space<hbm>> -> memref<16xf32, #tpu.memory_space<hbm>>
      %dma_wait3A_106 = tpu.memref_slice %arg4[%mul3A_102] : memref<512xf32, #tpu.memory_space<hbm>> -> memref<16xf32, #tpu.memory_space<hbm>>
      tpu.wait_dma2 semaphore(%run_scoped3A : memref<!tpu.dma_semaphore, #tpu.memory_space<semaphore_mem>>) src(%arg15 : memref<16xf32, #tpu.memory_space<vmem>>) dst(%dma_wait3A_106 : memref<16xf32, #tpu.memory_space<hbm>>)
      tpu.yield
    }) : () -> ()
    %mul3A_103 = arith.constant 4096 : i32
    %mul3A_104 = arith.muli %add3A, %mul3A_103 : i32
    "tpu.region"() ({
      %run_scoped3A = tpu.sem_alloc : memref<!tpu.dma_semaphore, #tpu.memory_space<semaphore_mem>>
      %dma_start3A = tpu.memref_slice %arg5[%mul3A_104] : memref<131072xf32, #tpu.memory_space<hbm>> -> memref<4096xf32, #tpu.memory_space<hbm>>
      %dma_start3A_105 = tpu.memref_slice %arg5[%mul3A_104] : memref<131072xf32, #tpu.memory_space<hbm>> -> memref<4096xf32, #tpu.memory_space<hbm>>
      tpu.enqueue_dma source(%arg14 : memref<4096xf32, #tpu.memory_space<vmem>>) target(%dma_start3A_105 : memref<4096xf32, #tpu.memory_space<hbm>>) target_semaphore(%run_scoped3A : memref<!tpu.dma_semaphore, #tpu.memory_space<semaphore_mem>>)
      %dma_wait3A = tpu.memref_slice %arg5[%mul3A_104] : memref<131072xf32, #tpu.memory_space<hbm>> -> memref<4096xf32, #tpu.memory_space<hbm>>
      %dma_wait3A_106 = tpu.memref_slice %arg5[%mul3A_104] : memref<131072xf32, #tpu.memory_space<hbm>> -> memref<4096xf32, #tpu.memory_space<hbm>>
      tpu.wait_dma2 semaphore(%run_scoped3A : memref<!tpu.dma_semaphore, #tpu.memory_space<semaphore_mem>>) src(%arg14 : memref<4096xf32, #tpu.memory_space<vmem>>) dst(%dma_wait3A_106 : memref<4096xf32, #tpu.memory_space<hbm>>)
      tpu.yield
    }) : () -> ()
    return
  }
}

module attributes {stable_mosaic.version = 14 : i64} {
  func.func @_finish_body(%arg0: memref<512xf32, #tpu.memory_space<vmem>>, %arg1: memref<131072xf32, #tpu.memory_space<vmem>>, %arg2: memref<1x1xf32, #tpu.memory_space<smem>>) attributes {dimension_semantics = [], scalar_prefetch = 0 : i64, scratch_operands = 0 : i64, tpu.core_type = #tpu.core_type<tc>} {
    %get3A = arith.constant 0 : index
    %get3A_0 = vector.load %arg0[%get3A] : memref<512xf32, #tpu.memory_space<vmem>>, vector<512xf32>
    %reduce_sum3A = vector.shape_cast %get3A_0 : vector<512xf32> to vector<1x512xf32>
    %reduce_sum3A_1 = arith.constant dense<0.000000e+00> : vector<1xf32>
    %reduce_sum3A_2 = vector.multi_reduction <add>, %reduce_sum3A, %reduce_sum3A_1 [1] : vector<1x512xf32> to vector<1xf32>
    %reduce_sum3A_3 = vector.shape_cast %reduce_sum3A_2 : vector<1xf32> to vector<1x1xf32>
    %reduce_sum3A_4 = vector.extract %reduce_sum3A_3[0, 0] : f32 from vector<1x1xf32>
    %get3A_5 = arith.constant 0 : index
    %get3A_6 = vector.load %arg1[%get3A_5] : memref<131072xf32, #tpu.memory_space<vmem>>, vector<4096xf32>
    %get3A_7 = arith.constant 4096 : index
    %get3A_8 = vector.load %arg1[%get3A_7] : memref<131072xf32, #tpu.memory_space<vmem>>, vector<4096xf32>
    %min3A = arith.minimumf %get3A_6, %get3A_8 : vector<4096xf32>
    %get3A_9 = arith.constant 8192 : index
    %get3A_10 = vector.load %arg1[%get3A_9] : memref<131072xf32, #tpu.memory_space<vmem>>, vector<4096xf32>
    %min3A_11 = arith.minimumf %min3A, %get3A_10 : vector<4096xf32>
    %get3A_12 = arith.constant 12288 : index
    %get3A_13 = vector.load %arg1[%get3A_12] : memref<131072xf32, #tpu.memory_space<vmem>>, vector<4096xf32>
    %min3A_14 = arith.minimumf %min3A_11, %get3A_13 : vector<4096xf32>
    %get3A_15 = arith.constant 16384 : index
    %get3A_16 = vector.load %arg1[%get3A_15] : memref<131072xf32, #tpu.memory_space<vmem>>, vector<4096xf32>
    %min3A_17 = arith.minimumf %min3A_14, %get3A_16 : vector<4096xf32>
    %get3A_18 = arith.constant 20480 : index
    %get3A_19 = vector.load %arg1[%get3A_18] : memref<131072xf32, #tpu.memory_space<vmem>>, vector<4096xf32>
    %min3A_20 = arith.minimumf %min3A_17, %get3A_19 : vector<4096xf32>
    %get3A_21 = arith.constant 24576 : index
    %get3A_22 = vector.load %arg1[%get3A_21] : memref<131072xf32, #tpu.memory_space<vmem>>, vector<4096xf32>
    %min3A_23 = arith.minimumf %min3A_20, %get3A_22 : vector<4096xf32>
    %get3A_24 = arith.constant 28672 : index
    %get3A_25 = vector.load %arg1[%get3A_24] : memref<131072xf32, #tpu.memory_space<vmem>>, vector<4096xf32>
    %min3A_26 = arith.minimumf %min3A_23, %get3A_25 : vector<4096xf32>
    %reduce_sum3A_27 = vector.shape_cast %min3A_26 : vector<4096xf32> to vector<1x4096xf32>
    %reduce_sum3A_28 = arith.constant dense<0.000000e+00> : vector<1xf32>
    %reduce_sum3A_29 = vector.multi_reduction <add>, %reduce_sum3A_27, %reduce_sum3A_28 [1] : vector<1x4096xf32> to vector<1xf32>
    %reduce_sum3A_30 = vector.shape_cast %reduce_sum3A_29 : vector<1xf32> to vector<1x1xf32>
    %reduce_sum3A_31 = vector.extract %reduce_sum3A_30[0, 0] : f32 from vector<1x1xf32>
    %add3A = arith.addf %reduce_sum3A_4, %reduce_sum3A_31 : f32
    %get3A_32 = arith.constant 32768 : index
    %get3A_33 = vector.load %arg1[%get3A_32] : memref<131072xf32, #tpu.memory_space<vmem>>, vector<4096xf32>
    %get3A_34 = arith.constant 36864 : index
    %get3A_35 = vector.load %arg1[%get3A_34] : memref<131072xf32, #tpu.memory_space<vmem>>, vector<4096xf32>
    %min3A_36 = arith.minimumf %get3A_33, %get3A_35 : vector<4096xf32>
    %get3A_37 = arith.constant 40960 : index
    %get3A_38 = vector.load %arg1[%get3A_37] : memref<131072xf32, #tpu.memory_space<vmem>>, vector<4096xf32>
    %min3A_39 = arith.minimumf %min3A_36, %get3A_38 : vector<4096xf32>
    %get3A_40 = arith.constant 45056 : index
    %get3A_41 = vector.load %arg1[%get3A_40] : memref<131072xf32, #tpu.memory_space<vmem>>, vector<4096xf32>
    %min3A_42 = arith.minimumf %min3A_39, %get3A_41 : vector<4096xf32>
    %get3A_43 = arith.constant 49152 : index
    %get3A_44 = vector.load %arg1[%get3A_43] : memref<131072xf32, #tpu.memory_space<vmem>>, vector<4096xf32>
    %min3A_45 = arith.minimumf %min3A_42, %get3A_44 : vector<4096xf32>
    %get3A_46 = arith.constant 53248 : index
    %get3A_47 = vector.load %arg1[%get3A_46] : memref<131072xf32, #tpu.memory_space<vmem>>, vector<4096xf32>
    %min3A_48 = arith.minimumf %min3A_45, %get3A_47 : vector<4096xf32>
    %get3A_49 = arith.constant 57344 : index
    %get3A_50 = vector.load %arg1[%get3A_49] : memref<131072xf32, #tpu.memory_space<vmem>>, vector<4096xf32>
    %min3A_51 = arith.minimumf %min3A_48, %get3A_50 : vector<4096xf32>
    %get3A_52 = arith.constant 61440 : index
    %get3A_53 = vector.load %arg1[%get3A_52] : memref<131072xf32, #tpu.memory_space<vmem>>, vector<4096xf32>
    %min3A_54 = arith.minimumf %min3A_51, %get3A_53 : vector<4096xf32>
    %reduce_sum3A_55 = vector.shape_cast %min3A_54 : vector<4096xf32> to vector<1x4096xf32>
    %reduce_sum3A_56 = arith.constant dense<0.000000e+00> : vector<1xf32>
    %reduce_sum3A_57 = vector.multi_reduction <add>, %reduce_sum3A_55, %reduce_sum3A_56 [1] : vector<1x4096xf32> to vector<1xf32>
    %reduce_sum3A_58 = vector.shape_cast %reduce_sum3A_57 : vector<1xf32> to vector<1x1xf32>
    %reduce_sum3A_59 = vector.extract %reduce_sum3A_58[0, 0] : f32 from vector<1x1xf32>
    %add3A_60 = arith.addf %add3A, %reduce_sum3A_59 : f32
    %get3A_61 = arith.constant 65536 : index
    %get3A_62 = vector.load %arg1[%get3A_61] : memref<131072xf32, #tpu.memory_space<vmem>>, vector<4096xf32>
    %get3A_63 = arith.constant 69632 : index
    %get3A_64 = vector.load %arg1[%get3A_63] : memref<131072xf32, #tpu.memory_space<vmem>>, vector<4096xf32>
    %min3A_65 = arith.minimumf %get3A_62, %get3A_64 : vector<4096xf32>
    %get3A_66 = arith.constant 73728 : index
    %get3A_67 = vector.load %arg1[%get3A_66] : memref<131072xf32, #tpu.memory_space<vmem>>, vector<4096xf32>
    %min3A_68 = arith.minimumf %min3A_65, %get3A_67 : vector<4096xf32>
    %get3A_69 = arith.constant 77824 : index
    %get3A_70 = vector.load %arg1[%get3A_69] : memref<131072xf32, #tpu.memory_space<vmem>>, vector<4096xf32>
    %min3A_71 = arith.minimumf %min3A_68, %get3A_70 : vector<4096xf32>
    %get3A_72 = arith.constant 81920 : index
    %get3A_73 = vector.load %arg1[%get3A_72] : memref<131072xf32, #tpu.memory_space<vmem>>, vector<4096xf32>
    %min3A_74 = arith.minimumf %min3A_71, %get3A_73 : vector<4096xf32>
    %get3A_75 = arith.constant 86016 : index
    %get3A_76 = vector.load %arg1[%get3A_75] : memref<131072xf32, #tpu.memory_space<vmem>>, vector<4096xf32>
    %min3A_77 = arith.minimumf %min3A_74, %get3A_76 : vector<4096xf32>
    %get3A_78 = arith.constant 90112 : index
    %get3A_79 = vector.load %arg1[%get3A_78] : memref<131072xf32, #tpu.memory_space<vmem>>, vector<4096xf32>
    %min3A_80 = arith.minimumf %min3A_77, %get3A_79 : vector<4096xf32>
    %get3A_81 = arith.constant 94208 : index
    %get3A_82 = vector.load %arg1[%get3A_81] : memref<131072xf32, #tpu.memory_space<vmem>>, vector<4096xf32>
    %min3A_83 = arith.minimumf %min3A_80, %get3A_82 : vector<4096xf32>
    %reduce_sum3A_84 = vector.shape_cast %min3A_83 : vector<4096xf32> to vector<1x4096xf32>
    %reduce_sum3A_85 = arith.constant dense<0.000000e+00> : vector<1xf32>
    %reduce_sum3A_86 = vector.multi_reduction <add>, %reduce_sum3A_84, %reduce_sum3A_85 [1] : vector<1x4096xf32> to vector<1xf32>
    %reduce_sum3A_87 = vector.shape_cast %reduce_sum3A_86 : vector<1xf32> to vector<1x1xf32>
    %reduce_sum3A_88 = vector.extract %reduce_sum3A_87[0, 0] : f32 from vector<1x1xf32>
    %add3A_89 = arith.addf %add3A_60, %reduce_sum3A_88 : f32
    %get3A_90 = arith.constant 98304 : index
    %get3A_91 = vector.load %arg1[%get3A_90] : memref<131072xf32, #tpu.memory_space<vmem>>, vector<4096xf32>
    %get3A_92 = arith.constant 102400 : index
    %get3A_93 = vector.load %arg1[%get3A_92] : memref<131072xf32, #tpu.memory_space<vmem>>, vector<4096xf32>
    %min3A_94 = arith.minimumf %get3A_91, %get3A_93 : vector<4096xf32>
    %get3A_95 = arith.constant 106496 : index
    %get3A_96 = vector.load %arg1[%get3A_95] : memref<131072xf32, #tpu.memory_space<vmem>>, vector<4096xf32>
    %min3A_97 = arith.minimumf %min3A_94, %get3A_96 : vector<4096xf32>
    %get3A_98 = arith.constant 110592 : index
    %get3A_99 = vector.load %arg1[%get3A_98] : memref<131072xf32, #tpu.memory_space<vmem>>, vector<4096xf32>
    %min3A_100 = arith.minimumf %min3A_97, %get3A_99 : vector<4096xf32>
    %get3A_101 = arith.constant 114688 : index
    %get3A_102 = vector.load %arg1[%get3A_101] : memref<131072xf32, #tpu.memory_space<vmem>>, vector<4096xf32>
    %min3A_103 = arith.minimumf %min3A_100, %get3A_102 : vector<4096xf32>
    %get3A_104 = arith.constant 118784 : index
    %get3A_105 = vector.load %arg1[%get3A_104] : memref<131072xf32, #tpu.memory_space<vmem>>, vector<4096xf32>
    %min3A_106 = arith.minimumf %min3A_103, %get3A_105 : vector<4096xf32>
    %get3A_107 = arith.constant 122880 : index
    %get3A_108 = vector.load %arg1[%get3A_107] : memref<131072xf32, #tpu.memory_space<vmem>>, vector<4096xf32>
    %min3A_109 = arith.minimumf %min3A_106, %get3A_108 : vector<4096xf32>
    %get3A_110 = arith.constant 126976 : index
    %get3A_111 = vector.load %arg1[%get3A_110] : memref<131072xf32, #tpu.memory_space<vmem>>, vector<4096xf32>
    %min3A_112 = arith.minimumf %min3A_109, %get3A_111 : vector<4096xf32>
    %reduce_sum3A_113 = vector.shape_cast %min3A_112 : vector<4096xf32> to vector<1x4096xf32>
    %reduce_sum3A_114 = arith.constant dense<0.000000e+00> : vector<1xf32>
    %reduce_sum3A_115 = vector.multi_reduction <add>, %reduce_sum3A_113, %reduce_sum3A_114 [1] : vector<1x4096xf32> to vector<1xf32>
    %reduce_sum3A_116 = vector.shape_cast %reduce_sum3A_115 : vector<1xf32> to vector<1x1xf32>
    %reduce_sum3A_117 = vector.extract %reduce_sum3A_116[0, 0] : f32 from vector<1x1xf32>
    %add3A_118 = arith.addf %add3A_89, %reduce_sum3A_117 : f32
    %mul3A = arith.constant 3.05175781E-5 : f32
    %mul3A_119 = arith.mulf %add3A_118, %mul3A : f32
    %swap3A = arith.constant 0 : index
    %swap3A_120 = arith.constant 0 : index
    %swap3A_121 = memref.load %arg2[%swap3A, %swap3A_120] : memref<1x1xf32, #tpu.memory_space<smem>>
    memref.store %mul3A_119, %arg2[%swap3A, %swap3A_120] : memref<1x1xf32, #tpu.memory_space<smem>>
    return
  }
}

</mosaic_0001>

<sc_bundles>
// kernel: kernel.4.cloned.1.call-start
scs
__scs_entry_jumppad:
0x0: {  	(pc) =	sbr.rel $0x88, $3  }
0x1: {  	(tag) =	ssettag $0x0;
	lr =	simm.s32 $0x1  }
0x2: {  	[smem:$0x3F9F] =	sst lr;
	_ =	strace $0xD0000000  }
0x3: {  	_ = 	snop  }
0x4: {  	_ = 	snop  }
0x5: {  	_ = 	snop  }
0x6: {  	_ = 	snop  }
0x7: {  	_ = 	snop  }
__scs_overlays_trampoline_lowered:
0x8: {  	[smem:$0x3FAE] =	sst s0  }
0x9: {  	[smem:$0x3FAF] =	sst s1  }
0xa: {  	[smem:$0x3FB0] =	sst s2  }
0xb: {  	[smem:$0x3FB1] =	sst s3  }
0xc: {  	[smem:$0x3FB2] =	sst s4  }
0xd: {  	[smem:$0x3FB3] =	sst s5  }
0xe: {  	[smem:$0x3FB4] =	sst s6  }
0xf: {  	[smem:$0x3FB5] =	sst s7  }
0x10: {  	[smem:$0x3FB6] =	sst s8  }
0x11: {  	[smem:$0x3FB7] =	sst s9;
	s0 =	simm.s32 @!p0 $0x0  }
0x12: {  	s1 =	sld [smem:$0x3F9D];
	s0 =	simm.s32 @p0 $0x1  }
0x13: {  	[smem:$0x3FB8] =	sst s0;
	s0 =	simm.s32 @!p1 $0x0  }
0x14: {  	s2 =	sld [smem:$0x3F9C];
	s0 =	simm.s32 @p1 $0x1  }
0x15: {  	[smem:$0x3FB9] =	sst s0;
	s0 =	simm.s32 @!p2 $0x0  }
0x16: {  	s3 =	sld [smem:$0x3FDB];
	s0 =	simm.s32 @p2 $0x1  }
0x17: {  	s4 =	simm.s32 $0x1BF5;
	[smem:$0x3FBB] =	sst s0  }
0x18: {  	s0 =	sld [smem:$0x3F9E];
	_ =	swait.ge [sflag:s4], $0x0  }
0x19: {  	s7 =	sld [smem:$0x3F9F]  }
0x1a: {  	s8 =	sadd.s32 $0xFFFFE003, lr  }
0x1b: {  	s9 =	sadd.s32 $0xFFFFFEF7, lr;
	s5 =	simm.s32 $0xFFFFFFFF;
	p2 =	slt.u32 s8, $0xFFFFF086  }
0x1c: {  	p1 =	slt.u32 s9, $0xF7A;
	s5 =	simm.s32 @!p2 $0x0  }
0x1d: {  	s5 =	simm.s32 @p1 $0x1;
	p0 =	seq.s32 s7, s2  }
0x1e: {  	s7 =	smul.u32 @!p0 $0xF7A, s2;
	p2 =	seq.s32 @!p0 s5, $0x0  }
0x1f: {  	s9 =	smul.u32 $0xF7A, s1;
	s8 =	simm.s32 @!p0 $0x1BF5;
	p2 =	por !p2, p0  }
0x20: {  	[sflag:s8] =	ssyncset.s32 @!p0 $0xFFFFF086;
	s6 =	sadd.s32 @!p0 s3, s7;
	s7 =	simm.s32 @!p0 $0x108  }
0x21: {  	s3 =	sadd.s32 s3, s9;
	s6 =	sadd.s32 @!p0 $0x88, s6;
	s7 =	simm.s32 @p2 $0x1082  }
0x22: {  	[simem:s7], [sflag:s8] =	dma.local @!p0 [hbm:s6], $0xF7A  }
0x23: {  	s9 =	sor.u32 $0xD0000000, s2;
	s6 =	simm.s32 $0x108;
	_ =	swait.ge @!p0 [sflag:s8], $0x0  }
0x24: {  	s3 =	sadd.s32 $0x88, s3;
	s6 =	simm.s32 @!p1 $0x1082;
	[sflag:s4] =	ssyncset.s32 $0xFFFFF086  }
0x25: {  	[simem:s6], [sflag:s4] =	dma.local [hbm:s3], $0xF7A  }
0x26: {  	[smem:$0x3F9F] =	sst s1;
	(tag) =	ssettag s2;
	_ =	strace s9  }
0x27: {  	s1 =	sld [smem:$0x3FAF]  }
0x28: {  	s2 =	sld [smem:$0x3FB0]  }
0x29: {  	s4 =	sld [smem:$0x3FB2]  }
0x2a: {  	p0 =	seq.s32 s5, $0x0;
	s5 =	sld [smem:$0x3FB3]  }
0x2b: {  	s6 =	sld [smem:$0x3FB4]  }
0x2c: {  	s7 =	sld [smem:$0x3FB5]  }
0x2d: {  	s3 =	simm.s32 $0x108;
	s8 =	sld [smem:$0x3FB6]  }
0x2e: {  	s3 =	simm.s32 @!p0 $0x1082;
	s9 =	sld [smem:$0x3FB7]  }
0x2f: {  	lr =	sadd.s32 s0, s3;
	s0 =	sld [smem:$0x3FAE]  }
0x30: {  	s3 =	sld [smem:$0x3FB1]  }
0x31: {  	[smem:$0x3FBA] =	sst s10  }
0x32: {  	s10 =	sld [smem:$0x3FB8];
	_ =	sdelay $0x3  }
0x33: {  	p0 =	seq.s32 s10, $0x1;
	s10 =	sld [smem:$0x3FBA];
	_ =	sdelay $0x3  }
0x34: {  	[smem:$0x3FBA] =	sst s10  }
0x35: {  	s10 =	sld [smem:$0x3FB9];
	_ =	sdelay $0x3  }
0x36: {  	p1 =	seq.s32 s10, $0x1;
	s10 =	sld [smem:$0x3FBA];
	_ =	sdelay $0x3  }
0x37: {  	[smem:$0x3FBA] =	sst s10  }
0x38: {  	s10 =	sld [smem:$0x3FBB]  }
0x39: {  	_ = 	snop;
	(pc) =	sbr.ind lr, $3  }
0x3a: {  	_ = 	snop  }
0x3b: {  	_ = 	snop  }
0x3c: {  	p2 =	seq.s32 s10, $0x1;
	s10 =	sld [smem:$0x3FBA]  }
0x3d: {  	_ =	shalt  }
0x3e: {  	_ =	shalt  }
0x3f: {  	_ =	shalt  }
0x40: {  	_ =	shalt  }
0x41: {  	_ =	shalt  }
0x42: {  	_ =	shalt  }
0x43: {  	_ =	shalt  }
0x44: {  	_ =	shalt  }
0x45: {  	_ =	shalt  }
0x46: {  	_ =	shalt  }
0x47: {  	_ =	shalt  }
0x48: {  	_ =	shalt  }
0x49: {  	_ =	shalt  }
0x4a: {  	_ =	shalt  }
0x4b: {  	_ =	shalt  }
0x4c: {  	_ =	shalt  }
0x4d: {  	_ =	shalt  }
0x4e: {  	_ =	shalt  }
0x4f: {  	_ =	shalt  }
0x50: {  	_ =	shalt  }
0x51: {  	_ =	shalt  }
0x52: {  	_ =	shalt  }
0x53: {  	_ =	shalt  }
0x54: {  	_ =	shalt  }
0x55: {  	_ =	shalt  }
0x56: {  	_ =	shalt  }
0x57: {  	_ =	shalt  }
0x58: {  	_ =	shalt  }
0x59: {  	_ =	shalt  }
0x5a: {  	_ =	shalt  }
0x5b: {  	_ =	shalt  }
0x5c: {  	_ =	shalt  }
0x5d: {  	_ =	shalt  }
0x5e: {  	_ =	shalt  }
0x5f: {  	_ =	shalt  }
0x60: {  	_ =	shalt  }
0x61: {  	_ =	shalt  }
0x62: {  	_ =	shalt  }
0x63: {  	_ =	shalt  }
0x64: {  	_ =	shalt  }
0x65: {  	_ =	shalt  }
0x66: {  	_ =	shalt  }
0x67: {  	_ =	shalt  }
0x68: {  	_ =	shalt  }
0x69: {  	_ =	shalt  }
0x6a: {  	_ =	shalt  }
0x6b: {  	_ =	shalt  }
0x6c: {  	_ =	shalt  }
0x6d: {  	_ =	shalt  }
0x6e: {  	_ =	shalt  }
0x6f: {  	_ =	shalt  }
0x70: {  	_ =	shalt  }
0x71: {  	_ =	shalt  }
0x72: {  	_ =	shalt  }
0x73: {  	_ =	shalt  }
0x74: {  	_ =	shalt  }
0x75: {  	_ =	shalt  }
0x76: {  	_ =	shalt  }
0x77: {  	_ =	shalt  }
0x78: {  	_ =	shalt  }
0x79: {  	_ =	shalt  }
0x7a: {  	_ =	shalt  }
0x7b: {  	_ =	shalt  }
0x7c: {  	_ =	shalt  }
0x7d: {  	_ =	shalt  }
0x7e: {  	_ =	shalt  }
0x7f: {  	_ =	shalt  }
0x80: {  	_ =	shalt  }
0x81: {  	_ =	shalt  }
0x82: {  	_ =	shalt  }
0x83: {  	_ =	shalt  }
0x84: {  	_ =	shalt  }
0x85: {  	_ =	shalt  }
0x86: {  	_ =	shalt  }
0x87: {  	_ =	shalt  }
.Lfunc_end0:
.L_simem_size_0:
called_computation_lowered:
.L_overlay_start_0:
0x88: {  	s2 =	sld [smem:$0x3FD9]  }
0x89: {  	s3 =	sld [smem:$0x3FFE];
	_ =	sdelay $0x1  }
0x8a: {  	s1 =	srdreg.scid  }
0x8b: {  	s0 =	sand.u32 $0x1, s1  }
0x8c: {  	s16 =	sshll.u32 s0, $0xA;
	s2 =	sadd.s32 s3, s2  }
0x8d: {  	s2 =	sadd.s32 s2, s16  }
0x8e: {  	[smem:$0x3FC6] =	sst s2  }
0x8f: {  	_ = 	snop  }
0x90: {  	(tm) =	ssettm $0x1  }
0x91: {  	s17 =	sld [smem:$0x3FFB];
	_ =	sdelay $0x3  }
0x92: {  	_ =	strace s17  }
0x93: {  	s2 =	sld [smem:$0x3FFC];
	_ =	sdelay $0x3  }
0x94: {  	_ =	strace s2  }
0x95: {  	s2 =	sld [smem:$0x3FFD];
	_ =	sdelay $0x3  }
0x96: {  	_ =	strace s2  }
0x97: {  	_ =	strace $0x8FFFFFFF  }
0x98: {  	s18 =	sld [smem:$0x3FDB];
	_ =	sdelay $0x1  }
0x99: {  	s19 =	simm.s32 $_scs_section_size  }
0x9a: {  	s4 =	simm.s32 $_size__tile_overlayer_lowered;
	s5 =	simm.s32 $_tile_overlayer_lowered  }
0x9b: {  	s22 =	simm.s32 $0x1BFF;
	s21 =	sshll.u32 s5, $0x1;
	s2 =	sadd.s32 s19, s18  }
0x9c: {  	s6 =	simm.s32 $0x0;
	s20 =	sshll.u32 s4, $0x1;
	s4 =	sadd.s32 s21, s2  }
0x9d: {  	[timem:s6], [sflag:s22] =	dma.local [hbm:s4], s20  }
0x9e: {  	_ =	swait.ge [sflag:s22], s20  }
0x9f: {  	s3 =	ssub.s32 $0x0, s20;
	[sflag:s22] =	ssyncset.done $0x0  }
0xa0: {  	[sflag:s22] =	ssyncadd.s32 s3;
	_ =	sdelay $0x1  }
0xa1: {  	s23 =	simm.s32 $0x1B8B  }
0xa2: {  	_ =	swait.ge [sflag:s23], $0x1  }
0xa3: {  	[sflag:s23] =	ssyncset.done $0x0  }
0xa4: {  	s25 =	simm.s32 $0x1B8E;
	s24 =	sld [smem:$0x3FFE];
	[sflag:s23] =	ssyncadd.s32 $0xFFFFFFFF  }
0xa5: {  	s26 =	simm.s32 $execute0_lowered;
	[smem:$0x3FD2] =	sst s25  }
0xa6: {  	s4 =	sshll.u32 s26, $0x1;
	_ =	strace $0x80000046;
	[dreg:$0x1] =	wrdreg $0xFFFFFFFF  }
0xa7: {  	s28 =	simm.s32 $_size_execute0_lowered;
	s2 =	sadd.s32 s2, s4;
	[dreg:$0x0] =	wrdreg $0x0  }
0xa8: {  	s4 =	sshll.u32 s28, $0x1;
	[dreg:$0x2] =	wrdreg s2  }
0xa9: {  	[dreg:$0x3] =	wrdreg s4  }
0xaa: {  	[dreg:$0x4] =	wrdreg $0xC0  }
0xab: {  	_ =	task [dreg:s6], $0x5FFFF  }
0xac: {  	[dreg:$0x1] =	wrdreg $0xFFFFFFFF  }
0xad: {  	[dreg:$0x0] =	wrdreg $0x60  }
0xae: {  	[dreg:$0x2] =	wrdreg s24  }
0xaf: {  	[dreg:$0x3] =	wrdreg $0x9  }
0xb0: {  	_ =	task.clear_ibuf [dreg:s6], $0x4FFFF;
	_ =	strace $0x90000046  }
0xb1: {  	s29 =	simm.s32 $0x9;
	_ =	strace $0x80000048  }
0xb2: {  	_ =	swait.ge [sflag:s29], $0x1  }
0xb3: {  	[sflag:s29] =	ssyncadd.s32 $0xFFFFFFFF  }
0xb4: {  	_ =	strace $0x90000048  }
0xb5: {  	_ =	sfence  }
0xb6: {  	s30 =	sld [smem:$0x0];
	_ =	sdelay $0x2  }
0xb7: {  	s31 =	sshll.u32 s1, $0xD;
	s1 =	sshrl.u32 s1, $0x2  }
0xb8: {  	s3 =	sand.u32 $0x4000, s31;
	s1 =	sadd.s32 s1, s30  }
0xb9: {  	s0 =	sor.u32 s3, s0;
	s1 =	sshll.u32 s1, $0x11  }
0xba: {  	s0 =	sor.u32 s1, s0  }
0xbb: {  	s0 =	sadd.s32 $0x8F2B, s0  }
0xbc: {  	[sflag:s0] =	ssyncadd.remote.s32 $0x1  }
0xbd: {  	_ =	sfence.sel $0xFFFF  }
0xbe: {  	[dreg:$0x0] =	wrdreg $0xFFFFFFFF;
	(pc) =	sbr.abs _section_cstart, $3  }
0xbf: {  	[dreg:$0x1] =	wrdreg $0xFFFFFFFF  }
0xc0: {  	_ =	task.clear_ibuf [dreg:s6], $0x2FFFF;
	_ =	strace $0x9FFFFFFF  }
0xc1: {  	(tm) =	ssettm $0x7FFFFFFF  }
tec
execute0_lowered:
.L_overlay_start_1:
0x0: {  	(tag) =	ssettag $0x1  }
0x1: {  	s0 =	srdreg.scid  }
0x2: {  	s2 =	stileid.u32;
	s3 =	rddreg [dreg:$0x0];
	s12 =	simm.s32 $0x1  }
0x3: {  	v0 =	vimm.s32 $0xFEDCBA98;
	s15 =	simm.s32 $0xA00;
	s16 =	simm.s32 $0x1A00;
	s17 =	simm.s32 $0x2A00  }
0x4: {  	v1 =	vimm.s32 $0x76543210;
	v2 =	vimm.s32 $0xBA98FEDC;
	s18 =	simm.s32 $0x5A00;
	s19 =	simm.s32 $0x4A00;
	s20 =	simm.s32 $0x0  }
0x5: {  	v3 =	vimm.s32 $0x32107654;
	v4 =	vimm.s32 $0xDCFE98BA;
	v5 =	vimm.s32 $0x54761032;
	s0 =	sand.u32 $0x1, s0;
	s1 =	sshll.u32 s2, $0x1;
	s2 =	sshrl.u32 s2, $0x2  }
0x6: {  	v6 =	vimm.s32 $0xEFCDAB89;
	v7 =	vimm.s32 $0x67452301;
	s1 =	sor.u32 s0, s1;
	s5 =	smul.u32 $0x3000, s2;
	s2 =	simm.s32 $0x0  }
0x7: {  	vm0 =	vcmask $0x300;
	v0 =	vunpack.c.l.s4.s8 v0;
	v1 =	vunpack.c.l.s4.s8 v1;
	s0 =	ssub.s32 $0x2, s0;
	s4 =	sshll.u32 s1, $0x9;
	[smem:$0x7FF] =	sst s2  }
0x8: {  	v2 =	vunpack.c.l.s4.s8 v2;
	v3 =	vunpack.c.l.s4.s8 v3;
	v4 =	vunpack.c.l.s4.s8 v4;
	s1 =	sshll.u32 s1, $0x1;
	s31 =	sshrl.u32 s0, $0x1;
	s6 =	sand.u32 $0xE00, s4  }
0x9: {  	v5 =	vunpack.c.l.s4.s8 v5;
	v6 =	vunpack.c.l.s4.s8 v6;
	v7 =	vunpack.c.l.s4.s8 v7;
	_ =	strace $0x80000047;
	s1 =	sadd.s32 s1, s3;
	s10 =	sadd.s32 s4, s3  }
0xa: {  	v0 =	vunpack.c.0.s8.s32 v0;
	v1 =	vunpack.c.0.s8.s32 v1;
	v2 =	vunpack.c.0.s8.s32 v2;
	s0 =	ssub.s32 s0, s31;
	s6 =	sor.u32 s5, s6;
	s5 =	sshrl.u32 s5, $0x3  }
0xb: {  	v3 =	vunpack.c.0.s8.s32 v3;
	v4 =	vunpack.c.0.s8.s32 v4;
	v5 =	vunpack.c.0.s8.s32 v5;
	s9 =	sadd.s32 $0x3E00, s1;
	s10 =	sadd.s32 $0x4000, s10;
	s6 =	sshrl.u32 s6, $0x3  }
0xc: {  	v6 =	vunpack.c.0.s8.s32 v6;
	v7 =	vunpack.c.0.s8.s32 v7;
	v0 =	vand.u32 $0xF, v0;
	s11 =	smax.u32 s0, $0x1;
	s8 =	sadd.s32 s5, s3;
	s6 =	sadd.s32 s6, s3  }
0xd: {  	v0 =	vcombine.low v0, v1;
	v1 =	vcombine.low v3, v2;
	v2 =	vimm.f32 $+Inf;
	s7 =	sadd.s32 $0x2800, s8;
	s3 =	sadd.s32 $0xE00, s6;
	s4 =	sadd.s32 $0x1000, s6  }
0xe: {  	v3 =	vcombine.low v5, v4;
	v4 =	vimm.f32 $0.0e+00;
	v5 =	vcombine.low v7, v6;
	s5 =	sadd.s32 $0x1200, s6;
	s6 =	sadd.s32 $0x2600, s8;
	s8 =	sadd.s32 $0x2A00, s8  }
.LBB2_1:
0xf: {  	[tilespmem:s2], [sflag:$0x1] =	stream.linear.gather [hbm4b:s3+s2], $0x200, $0x38;
	[tilespmem:$0x5A80] =	vst v63  }
0x10: {  	_ =	swait.ge [sflag:s12], $0x200  }
0x11: {  	[sflag:s12] =	ssyncset.done $0x0  }
0x12: {  	s0 =	simm.s32 $0x280;
	[sflag:s12] =	ssyncadd.s32 $0xFFFFFE00  }
0x13: {  	[tilespmem:s0], [sflag:$0x1] =	stream.linear.gather [hbm4b:s4+s2], $0x200, $0x38;
	[tilespmem:$0x5A80] =	vst v63  }
0x14: {  	_ =	swait.ge [sflag:s12], $0x200  }
0x15: {  	[sflag:s12] =	ssyncset.done $0x0  }
0x16: {  	s26 =	simm.s32 $0x500;
	[sflag:s12] =	ssyncadd.s32 $0xFFFFFE00  }
0x17: {  	[tilespmem:s26], [sflag:$0x1] =	stream.linear.gather [hbm4b:s5+s2], $0x200, $0x38;
	[tilespmem:$0x5A80] =	vst v63  }
0x18: {  	_ =	swait.ge [sflag:s12], $0x200  }
0x19: {  	[sflag:s12] =	ssyncset.done $0x0  }
0x1a: {  	[sflag:s12] =	ssyncadd.s32 $0xFFFFFE00  }
0x1b: {  	[tilespmem:s15], [sflag:$0x1] =	stream.linear.gather [hbm4b:s6+s2], $0x1000, $0x38;
	[tilespmem:$0x5A80] =	vst v63  }
0x1c: {  	_ =	swait.ge [sflag:s12], $0x1000  }
0x1d: {  	[sflag:s12] =	ssyncset.done $0x0  }
0x1e: {  	[sflag:s12] =	ssyncadd.s32 $0xFFFFF000  }
0x1f: {  	[tilespmem:s16], [sflag:$0x1] =	stream.linear.gather [hbm4b:s7+s2], $0x1000, $0x38;
	[tilespmem:$0x5A80] =	vst v63  }
0x20: {  	_ =	swait.ge [sflag:s12], $0x1000  }
0x21: {  	[sflag:s12] =	ssyncset.done $0x0  }
0x22: {  	[sflag:s12] =	ssyncadd.s32 $0xFFFFF000  }
0x23: {  	[tilespmem:s17], [sflag:$0x1] =	stream.linear.gather [hbm4b:s8+s2], $0x1000, $0x38;
	[tilespmem:$0x5A80] =	vst v63  }
0x24: {  	_ =	swait.ge [sflag:s12], $0x1000  }
0x25: {  	[sflag:s12] =	ssyncset.done $0x0  }
0x26: {  	s25 =	simm.s32 $0x1A20;
	[sflag:s12] =	ssyncadd.s32 $0xFFFFF000  }
0x27: {  	s28 =	simm.s32 $0xA20;
	v6 =	vld [tilespmem:s25+$0xFFFFFFE0]  }
0x28: {  	v7 =	vld [tilespmem:s28+$0xFFFFFFE0]  }
0x29: {  	s26 =	simm.s32 $0x2A20  }
0x2a: {  	v8 =	vld [tilespmem:s26+$0xFFFFFFE0];
	_ =	sdelay $0x2  }
0x2b: {  	v9 =	vmul.f32 v7, v7;
	v10 =	vmul.f32 v6, v6;
	_ =	sdelay $0x1  }
0x2c: {  	v12 =	vshrl.u32 v7, $0x10;
	v9 =	vadd.f32 v10, v9;
	v10 =	vmul.f32 v8, v8  }
0x2d: {  	v11 =	vshrl.u32 v6, $0x10;
	v57 =	vshrl.u32 v8, $0x10;
	v12 =	vand.u32 $0x1, v12  }
0x2e: {  	v11 =	vand.u32 $0x1, v11;
	v7 =	vadd.s32 v12, v7;
	v9 =	vadd.f32 v10, v9  }
0x2f: {  	s29 =	simm.s32 $0x3A20;
	v6 =	vadd.s32 v11, v6;
	v7 =	vadd.s32 $0x7FFF, v7;
	v10 =	vand.u32 $0x1, v57  }
0x30: {  	v6 =	vadd.s32 $0x7FFF, v6;
	v7 =	vand.u32 $0xFFFF0000, v7;
	v8 =	vadd.s32 v10, v8;
	[tilespmem:s29+$0xFFFFFFE0] =	vst v9  }
0x31: {  	v6 =	vand.u32 $0xFFFF0000, v6;
	[tilespmem:s28+$0xFFFFFFE0] =	vst v7;
	v7 =	vadd.s32 $0x7FFF, v8  }
0x32: {  	[tilespmem:s25+$0xFFFFFFE0] =	vst v6;
	v6 =	vand.u32 $0xFFFF0000, v7  }
0x33: {  	s30 =	simm.s32 $0x4A20;
	[tilespmem:s26+$0xFFFFFFE0] =	vst v6  }
0x34: {  	[tilespmem:s30+$0xFFFFFFE0] =	vst v2  }
0x35: {  	v6 =	vld [tilespmem:s28+$0xFFFFFFF0]  }
0x36: {  	v7 =	vld [tilespmem:s25+$0xFFFFFFF0];
	_ =	sdelay $0x1  }
0x37: {  	v8 =	vld [tilespmem:s26+$0xFFFFFFF0];
	_ =	sdelay $0x2  }
0x38: {  	v9 =	vmul.f32 v6, v6;
	v10 =	vmul.f32 v7, v7;
	_ =	sdelay $0x1  }
0x39: {  	v11 =	vshrl.u32 v6, $0x10;
	v9 =	vadd.f32 v10, v9;
	v10 =	vmul.f32 v8, v8  }
0x3a: {  	v58 =	vshrl.u32 v7, $0x10;
	v59 =	vshrl.u32 v8, $0x10;
	v11 =	vand.u32 $0x1, v11  }
0x3b: {  	v6 =	vadd.s32 v11, v6;
	v11 =	vand.u32 $0x1, v58;
	v9 =	vadd.f32 v10, v9  }
0x3c: {  	v7 =	vadd.s32 v11, v7;
	v6 =	vadd.s32 $0x7FFF, v6;
	v10 =	vand.u32 $0x1, v59  }
0x3d: {  	v7 =	vadd.s32 $0x7FFF, v7;
	v6 =	vand.u32 $0xFFFF0000, v6;
	v8 =	vadd.s32 v10, v8;
	[tilespmem:s29+$0xFFFFFFF0] =	vst v9  }
0x3e: {  	v8 =	vadd.s32 $0x7FFF, v8;
	[tilespmem:s28+$0xFFFFFFF0] =	vst v6;
	v6 =	vand.u32 $0xFFFF0000, v7  }
0x3f: {  	[tilespmem:s25+$0xFFFFFFF0] =	vst v6;
	v6 =	vand.u32 $0xFFFF0000, v8  }
0x40: {  	[tilespmem:s26+$0xFFFFFFF0] =	vst v6  }
0x41: {  	[tilespmem:s30+$0xFFFFFFF0] =	vst v2  }
0x42: {  	v6 =	vld [tilespmem:s28+$0x0]  }
0x43: {  	v7 =	vld [tilespmem:s25+$0x0];
	_ =	sdelay $0x1  }
0x44: {  	v8 =	vld [tilespmem:s26+$0x0];
	_ =	sdelay $0x2  }
0x45: {  	v9 =	vmul.f32 v6, v6;
	v10 =	vmul.f32 v7, v7;
	_ =	sdelay $0x1  }
0x46: {  	v11 =	vshrl.u32 v6, $0x10;
	v9 =	vadd.f32 v10, v9;
	v10 =	vmul.f32 v8, v8  }
0x47: {  	v60 =	vshrl.u32 v7, $0x10;
	v61 =	vshrl.u32 v8, $0x10;
	v11 =	vand.u32 $0x1, v11  }
0x48: {  	v6 =	vadd.s32 v11, v6;
	v11 =	vand.u32 $0x1, v60;
	v9 =	vadd.f32 v10, v9  }
0x49: {  	v7 =	vadd.s32 v11, v7;
	v6 =	vadd.s32 $0x7FFF, v6;
	v10 =	vand.u32 $0x1, v61  }
0x4a: {  	v7 =	vadd.s32 $0x7FFF, v7;
	v6 =	vand.u32 $0xFFFF0000, v6;
	v8 =	vadd.s32 v10, v8;
	[tilespmem:s29+$0x0] =	vst v9  }
0x4b: {  	[tilespmem:s28+$0x0] =	vst v6;
	v6 =	vand.u32 $0xFFFF0000, v7;
	v7 =	vadd.s32 $0x7FFF, v8  }
0x4c: {  	[tilespmem:s25+$0x0] =	vst v6;
	v6 =	vand.u32 $0xFFFF0000, v7  }
0x4d: {  	[tilespmem:s26+$0x0] =	vst v6  }
0x4e: {  	[tilespmem:s30+$0x0] =	vst v2  }
0x4f: {  	v6 =	vld [tilespmem:s28+$0x10]  }
0x50: {  	v7 =	vld [tilespmem:s25+$0x10]  }
0x51: {  	v8 =	vld [tilespmem:s26+$0x10];
	_ =	sdelay $0x3  }
0x52: {  	v9 =	vshrl.u32 v6, $0x10;
	v10 =	vmul.f32 v6, v6;
	v11 =	vmul.f32 v7, v7  }
0x53: {  	v62 =	vshrl.u32 v7, $0x10;
	v63 =	vshrl.u32 v8, $0x10;
	v9 =	vand.u32 $0x1, v9  }
0x54: {  	v12 =	vand.u32 $0x1, v63;
	v10 =	vadd.f32 v11, v10;
	v11 =	vmul.f32 v8, v8  }
0x55: {  	s31 =	simm.s32 $0x0;
	s21 =	simm.s32 $0x20;
	s22 =	simm.s32 $0x7A0;
	v6 =	vadd.s32 v9, v6;
	v9 =	vand.u32 $0x1, v62;
	v12 =	vadd.s32 v12, v8  }
0x56: {  	s24 =	simm.s32 $0x520;
	s23 =	simm.s32 $0x2A0;
	s13 =	simm.s32 $0x1A60;
	v6 =	vadd.s32 $0x7FFF, v6;
	v7 =	vadd.s32 v9, v7;
	v9 =	vadd.f32 v11, v10  }
0x57: {  	s14 =	simm.s32 $0xA60;
	s1 =	simm.s32 $0x4A20;
	s0 =	simm.s32 $0x2A60;
	v6 =	vand.u32 $0xFFFF0000, v6;
	v8 =	vadd.s32 $0x7FFF, v7;
	v7 =	vadd.s32 $0x7FFF, v12  }
.LBB2_2:
0x58: {  	s31 =	sadd.s32 $0x4, s31;
	[tilespmem:s29+$0x10] =	vst v9;
	s30 =	sadd.s32 $0x40, s30;
	s29 =	sadd.s32 $0x40, s29  }
0x59: {  	p0 =	slt.u32 s31, $0xFC;
	[tilespmem:s28+$0x10] =	vst v6;
	v6 =	vand.u32 $0xFFFF0000, v8;
	s28 =	smov.u32 s14  }
0x5a: {  	[tilespmem:s25+$0x10] =	vst v6;
	v6 =	vand.u32 $0xFFFF0000, v7;
	s25 =	smov.u32 s13  }
0x5b: {  	[tilespmem:s26+$0x10] =	vst v6;
	s26 =	smov.u32 s0  }
0x5c: {  	[tilespmem:s1+$0x10] =	vst v2;
	s1 =	smov.u32 s30  }
0x5d: {  	v6 =	vld [tilespmem:s13+$0xFFFFFFE0]  }
0x5e: {  	v7 =	vld [tilespmem:s14+$0xFFFFFFE0];
	_ =	sdelay $0x1  }
0x5f: {  	v8 =	vld [tilespmem:s0+$0xFFFFFFE0];
	_ =	sdelay $0x1  }
0x60: {  	v9 =	vshrl.u32 v6, $0x10  }
0x61: {  	v11 =	vmul.f32 v6, v6;
	v10 =	vmul.f32 v7, v7;
	v12 =	vshrl.u32 v7, $0x10  }
0x62: {  	v9 =	vand.u32 $0x1, v9;
	v12 =	vand.u32 $0x1, v12  }
0x63: {  	v10 =	vadd.f32 v11, v10;
	v11 =	vmul.f32 v8, v8;
	v7 =	vadd.s32 v12, v7  }
0x64: {  	v6 =	vadd.s32 v9, v6;
	v9 =	vshrl.u32 v8, $0x10;
	v7 =	vadd.s32 $0x7FFF, v7  }
0x65: {  	v6 =	vadd.s32 $0x7FFF, v6;
	v9 =	vand.u32 $0x1, v9;
	v10 =	vadd.f32 v11, v10  }
0x66: {  	v8 =	vadd.s32 v9, v8  }
0x67: {  	v7 =	vand.u32 $0xFFFF0000, v7;
	[tilespmem:s29+$0xFFFFFFE0] =	vst v10  }
0x68: {  	v6 =	vand.u32 $0xFFFF0000, v6;
	[tilespmem:s14+$0xFFFFFFE0] =	vst v7;
	v7 =	vadd.s32 $0x7FFF, v8  }
0x69: {  	[tilespmem:s13+$0xFFFFFFE0] =	vst v6;
	v6 =	vand.u32 $0xFFFF0000, v7  }
0x6a: {  	[tilespmem:s0+$0xFFFFFFE0] =	vst v6  }
0x6b: {  	[tilespmem:s30+$0xFFFFFFE0] =	vst v2  }
0x6c: {  	v6 =	vld [tilespmem:s14+$0xFFFFFFF0]  }
0x6d: {  	v7 =	vld [tilespmem:s13+$0xFFFFFFF0];
	_ =	sdelay $0x1  }
0x6e: {  	v8 =	vld [tilespmem:s0+$0xFFFFFFF0];
	_ =	sdelay $0x1  }
0x6f: {  	v9 =	vmul.f32 v6, v6;
	v10 =	vshrl.u32 v6, $0x10  }
0x70: {  	v11 =	vmul.f32 v7, v7;
	v10 =	vand.u32 $0x1, v10;
	v12 =	vshrl.u32 v7, $0x10  }
0x71: {  	v6 =	vadd.s32 v10, v6;
	v10 =	vand.u32 $0x1, v12  }
0x72: {  	v9 =	vadd.f32 v11, v9;
	v11 =	vmul.f32 v8, v8;
	v12 =	vshrl.u32 v8, $0x10  }
0x73: {  	v7 =	vadd.s32 v10, v7;
	v10 =	vand.u32 $0x1, v12  }
0x74: {  	v7 =	vadd.s32 $0x7FFF, v7;
	v9 =	vadd.f32 v11, v9;
	v8 =	vadd.s32 v10, v8  }
0x75: {  	v6 =	vadd.s32 $0x7FFF, v6;
	v8 =	vadd.s32 $0x7FFF, v8  }
0x76: {  	v6 =	vand.u32 $0xFFFF0000, v6;
	[tilespmem:s29+$0xFFFFFFF0] =	vst v9  }
0x77: {  	[tilespmem:s14+$0xFFFFFFF0] =	vst v6;
	v6 =	vand.u32 $0xFFFF0000, v7  }
0x78: {  	[tilespmem:s13+$0xFFFFFFF0] =	vst v6;
	v6 =	vand.u32 $0xFFFF0000, v8  }
0x79: {  	[tilespmem:s0+$0xFFFFFFF0] =	vst v6  }
0x7a: {  	[tilespmem:s30+$0xFFFFFFF0] =	vst v2  }
0x7b: {  	v6 =	vld [tilespmem:s14+$0x0]  }
0x7c: {  	v7 =	vld [tilespmem:s13+$0x0];
	_ =	sdelay $0x1  }
0x7d: {  	v8 =	vld [tilespmem:s0+$0x0];
	_ =	sdelay $0x1  }
0x7e: {  	v9 =	vmul.f32 v6, v6;
	v10 =	vshrl.u32 v6, $0x10  }
0x7f: {  	v11 =	vmul.f32 v7, v7;
	v10 =	vand.u32 $0x1, v10;
	v12 =	vshrl.u32 v7, $0x10  }
0x80: {  	v6 =	vadd.s32 v10, v6;
	v10 =	vand.u32 $0x1, v12  }
0x81: {  	v9 =	vadd.f32 v11, v9;
	v11 =	vmul.f32 v8, v8;
	v12 =	vshrl.u32 v8, $0x10  }
0x82: {  	v7 =	vadd.s32 v10, v7;
	v10 =	vand.u32 $0x1, v12  }
0x83: {  	v7 =	vadd.s32 $0x7FFF, v7;
	v9 =	vadd.f32 v11, v9;
	v8 =	vadd.s32 v10, v8  }
0x84: {  	v6 =	vadd.s32 $0x7FFF, v6  }
0x85: {  	v6 =	vand.u32 $0xFFFF0000, v6;
	[tilespmem:s29+$0x0] =	vst v9  }
0x86: {  	[tilespmem:s14+$0x0] =	vst v6;
	v6 =	vand.u32 $0xFFFF0000, v7;
	v7 =	vadd.s32 $0x7FFF, v8  }
0x87: {  	[tilespmem:s13+$0x0] =	vst v6;
	v6 =	vand.u32 $0xFFFF0000, v7  }
0x88: {  	[tilespmem:s0+$0x0] =	vst v6  }
0x89: {  	[tilespmem:s30+$0x0] =	vst v2  }
0x8a: {  	v6 =	vld [tilespmem:s14+$0x10]  }
0x8b: {  	v7 =	vld [tilespmem:s13+$0x10]  }
0x8c: {  	v10 =	vld [tilespmem:s0+$0x10];
	_ =	sdelay $0x2  }
0x8d: {  	v8 =	vmul.f32 v6, v6;
	v9 =	vshrl.u32 v6, $0x10  }
0x8e: {  	v11 =	vmul.f32 v7, v7;
	v9 =	vand.u32 $0x1, v9;
	v12 =	vshrl.u32 v7, $0x10  }
.Ltmp0:
0x8f: {  	v6 =	vadd.s32 v9, v6;
	v9 =	vand.u32 $0x1, v12;
	v12 =	vshrl.u32 v10, $0x10;
	(pc) =	sbr.rel @p0 .LBB2_2-.Ltmp0, $4  }
0x90: {  	v8 =	vadd.f32 v11, v8;
	v11 =	vmul.f32 v10, v10;
	v6 =	vadd.s32 $0x7FFF, v6  }
0x91: {  	v7 =	vadd.s32 v9, v7;
	v12 =	vand.u32 $0x1, v12;
	v6 =	vand.u32 $0xFFFF0000, v6  }
0x92: {  	v9 =	vadd.f32 v11, v8;
	v8 =	vadd.s32 $0x7FFF, v7;
	v7 =	vadd.s32 v12, v10  }
0x93: {  	s14 =	sadd.s32 $0x40, s14;
	s13 =	sadd.s32 $0x40, s13;
	s0 =	sadd.s32 $0x40, s0;
	v7 =	vadd.s32 $0x7FFF, v7  }
0x94: {  	[tilespmem:s29+$0x10] =	vst v9  }
0x95: {  	[tilespmem:s28+$0x10] =	vst v6;
	v6 =	vand.u32 $0xFFFF0000, v8  }
0x96: {  	[tilespmem:s25+$0x10] =	vst v6;
	v6 =	vand.u32 $0xFFFF0000, v7  }
0x97: {  	[tilespmem:s26+$0x10] =	vst v6  }
0x98: {  	[tilespmem:s1+$0x10] =	vst v2  }
0x99: {  	v6 =	vld [tilespmem:s21+$0xFFFFFFE0]  }
0x9a: {  	v7 =	vld [tilespmem:s23+$0xFFFFFFE0];
	_ =	sdelay $0x1  }
0x9b: {  	v8 =	vld [tilespmem:s24+$0xFFFFFFE0];
	_ =	sdelay $0x2  }
0x9c: {  	v9 =	vmul.f32 v6, v6;
	v10 =	vmul.f32 v7, v7  }
0x9d: {  	v11 =	vshrl.u32 v6, $0x10  }
0x9e: {  	v11 =	vand.u32 $0x1, v11;
	v9 =	vadd.f32 v10, v9;
	v10 =	vmul.f32 v8, v8  }
0x9f: {  	v6 =	vadd.s32 v11, v6;
	v11 =	vshrl.u32 v7, $0x10  }
0xa0: {  	v12 =	vshrl.u32 v8, $0x10;
	v11 =	vand.u32 $0x1, v11;
	v9 =	vadd.f32 v10, v9  }
0xa1: {  	v6 =	vadd.s32 $0x7FFF, v6;
	v7 =	vadd.s32 v11, v7;
	v10 =	vand.u32 $0x1, v12  }
0xa2: {  	v6 =	vand.u32 $0xFFFF0000, v6;
	v7 =	vadd.s32 $0x7FFF, v7;
	v8 =	vadd.s32 v10, v8;
	[tilespmem:s22+$0xFFFFFFE0] =	vst v9  }
0xa3: {  	v8 =	vadd.s32 $0x7FFF, v8;
	[tilespmem:s21+$0xFFFFFFE0] =	vst v6;
	v6 =	vand.u32 $0xFFFF0000, v7  }
0xa4: {  	[tilespmem:s23+$0xFFFFFFE0] =	vst v6;
	v6 =	vand.u32 $0xFFFF0000, v8  }
0xa5: {  	[tilespmem:s24+$0xFFFFFFE0] =	vst v6  }
0xa6: {  	v6 =	vld [tilespmem:s21+$0xFFFFFFF0]  }
0xa7: {  	v7 =	vld [tilespmem:s23+$0xFFFFFFF0];
	_ =	sdelay $0x1  }
0xa8: {  	v8 =	vld [tilespmem:s24+$0xFFFFFFF0];
	_ =	sdelay $0x2  }
0xa9: {  	v9 =	vmul.f32 v6, v6;
	v10 =	vmul.f32 v7, v7  }
0xaa: {  	v11 =	vshrl.u32 v6, $0x10  }
0xab: {  	v59 =	vmul.f32 v8, v8;
	v11 =	vand.u32 $0x1, v11;
	v9 =	vadd.f32 v10, v9  }
0xac: {  	v10 =	vshrl.u32 v7, $0x10;
	v6 =	vadd.s32 v11, v6  }
0xad: {  	v11 =	vshrl.u32 v8, $0x10;
	v10 =	vand.u32 $0x1, v10;
	v9 =	vadd.f32 v59, v9  }
0xae: {  	v6 =	vadd.s32 $0x7FFF, v6;
	v7 =	vadd.s32 v10, v7;
	v10 =	vand.u32 $0x1, v11  }
0xaf: {  	v6 =	vand.u32 $0xFFFF0000, v6;
	v7 =	vadd.s32 $0x7FFF, v7;
	v8 =	vadd.s32 v10, v8;
	[tilespmem:s22+$0xFFFFFFF0] =	vst v9  }
0xb0: {  	v7 =	vand.u32 $0xFFFF0000, v7;
	v8 =	vadd.s32 $0x7FFF, v8;
	[tilespmem:s21+$0xFFFFFFF0] =	vst v6  }
0xb1: {  	v6 =	vand.u32 $0xFFFF0000, v8;
	[tilespmem:s23+$0xFFFFFFF0] =	vst v7  }
0xb2: {  	[tilespmem:s24+$0xFFFFFFF0] =	vst v6  }
0xb3: {  	v6 =	vld [tilespmem:s21+$0x0]  }
0xb4: {  	v7 =	vld [tilespmem:s23+$0x0]  }
0xb5: {  	v8 =	vld [tilespmem:s24+$0x0];
	_ =	sdelay $0x3  }
0xb6: {  	v9 =	vmul.f32 v6, v6;
	v10 =	vmul.f32 v7, v7  }
0xb7: {  	v11 =	vmul.f32 v8, v8  }
0xb8: {  	v60 =	vshrl.u32 v6, $0x10;
	v13 =	vshrl.u32 v7, $0x10;
	v9 =	vadd.f32 v10, v9  }
0xb9: {  	v12 =	vand.u32 $0x1, v60;
	v61 =	vand.u32 $0x1, v13  }
0xba: {  	v10 =	vshrl.u32 v8, $0x10;
	v6 =	vadd.s32 v12, v6;
	v9 =	vadd.f32 v11, v9  }
0xbb: {  	v7 =	vadd.s32 v61, v7;
	v10 =	vand.u32 $0x1, v10;
	v6 =	vadd.s32 $0x7FFF, v6  }
0xbc: {  	v7 =	vadd.s32 $0x7FFF, v7;
	v8 =	vadd.s32 v10, v8;
	v6 =	vand.u32 $0xFFFF0000, v6;
	[tilespmem:s22+$0x0] =	vst v9  }
0xbd: {  	v7 =	vand.u32 $0xFFFF0000, v7;
	v8 =	vadd.s32 $0x7FFF, v8;
	[tilespmem:s21+$0x0] =	vst v6  }
0xbe: {  	v6 =	vand.u32 $0xFFFF0000, v8;
	[tilespmem:s23+$0x0] =	vst v7  }
0xbf: {  	[tilespmem:s24+$0x0] =	vst v6;
	v6 =	vld [tilespmem:s24+$0x10]  }
0xc0: {  	v7 =	vld [tilespmem:s21+$0x10]  }
0xc1: {  	v8 =	vld [tilespmem:s23+$0x10];
	_ =	sdelay $0x3  }
0xc2: {  	v9 =	vshrl.u32 v6, $0x10;
	v63 =	vmul.f32 v6, v6;
	v10 =	vshrl.u32 v7, $0x10  }
0xc3: {  	v11 =	vmul.f32 v7, v7;
	v62 =	vmul.f32 v8, v8;
	v10 =	vand.u32 $0x1, v10  }
0xc4: {  	v14 =	vshrl.u32 v8, $0x10;
	v9 =	vand.u32 $0x1, v9;
	v7 =	vadd.s32 v10, v7  }
0xc5: {  	v10 =	vand.u32 $0x1, v14;
	v11 =	vadd.f32 v62, v11;
	v7 =	vadd.s32 $0x7FFF, v7  }
0xc6: {  	v9 =	vadd.s32 v9, v6;
	v8 =	vadd.s32 v10, v8;
	v6 =	vand.u32 $0xFFFF0000, v7  }
0xc7: {  	s0 =	simm.s32 $0x0;
	v7 =	vadd.s32 $0x7FFF, v8;
	v8 =	vadd.s32 $0x7FFF, v9;
	v9 =	vadd.f32 v63, v11  }
0xc8: {  	s13 =	simm.s32 $0x2E0;
	s14 =	simm.s32 $0x60;
	s1 =	simm.s32 $0x520;
	v7 =	vand.u32 $0xFFFF0000, v7;
	v8 =	vand.u32 $0xFFFF0000, v8  }
.LBB2_4:
0xc9: {  	s0 =	sadd.s32 $0x4, s0;
	[tilespmem:s22+$0x10] =	vst v9;
	s22 =	sadd.s32 $0x40, s22;
	s24 =	sadd.s32 $0x40, s24  }
0xca: {  	p0 =	slt.u32 s0, $0x1C;
	[tilespmem:s21+$0x10] =	vst v6;
	s21 =	smov.u32 s14  }
0xcb: {  	[tilespmem:s23+$0x10] =	vst v7;
	s23 =	smov.u32 s13  }
0xcc: {  	[tilespmem:s1+$0x10] =	vst v8;
	s1 =	smov.u32 s24  }
0xcd: {  	v6 =	vld [tilespmem:s14+$0xFFFFFFE0]  }
0xce: {  	v7 =	vld [tilespmem:s13+$0xFFFFFFE0];
	_ =	sdelay $0x1  }
0xcf: {  	v8 =	vld [tilespmem:s24+$0xFFFFFFE0];
	_ =	sdelay $0x1  }
0xd0: {  	v9 =	vshrl.u32 v6, $0x10  }
0xd1: {  	v10 =	vmul.f32 v6, v6;
	v11 =	vmul.f32 v7, v7;
	v9 =	vand.u32 $0x1, v9  }
0xd2: {  	v6 =	vadd.s32 v9, v6;
	v9 =	vshrl.u32 v7, $0x10  }
0xd3: {  	v10 =	vadd.f32 v11, v10;
	v11 =	vmul.f32 v8, v8;
	v9 =	vand.u32 $0x1, v9  }
0xd4: {  	v7 =	vadd.s32 v9, v7;
	v9 =	vshrl.u32 v8, $0x10  }
0xd5: {  	v10 =	vadd.f32 v11, v10;
	v7 =	vadd.s32 $0x7FFF, v7;
	v9 =	vand.u32 $0x1, v9  }
0xd6: {  	v6 =	vadd.s32 $0x7FFF, v6;
	v8 =	vadd.s32 v9, v8  }
0xd7: {  	v6 =	vand.u32 $0xFFFF0000, v6;
	[tilespmem:s22+$0xFFFFFFE0] =	vst v10;
	v8 =	vadd.s32 $0x7FFF, v8  }
0xd8: {  	[tilespmem:s14+$0xFFFFFFE0] =	vst v6;
	v6 =	vand.u32 $0xFFFF0000, v7  }
0xd9: {  	[tilespmem:s13+$0xFFFFFFE0] =	vst v6;
	v6 =	vand.u32 $0xFFFF0000, v8  }
0xda: {  	[tilespmem:s24+$0xFFFFFFE0] =	vst v6  }
0xdb: {  	v6 =	vld [tilespmem:s14+$0xFFFFFFF0]  }
0xdc: {  	v7 =	vld [tilespmem:s13+$0xFFFFFFF0]  }
0xdd: {  	v8 =	vld [tilespmem:s24+$0xFFFFFFF0];
	_ =	sdelay $0x2  }
0xde: {  	v9 =	vmul.f32 v6, v6;
	v10 =	vshrl.u32 v6, $0x10  }
0xdf: {  	v11 =	vmul.f32 v7, v7;
	v10 =	vand.u32 $0x1, v10;
	v12 =	vshrl.u32 v7, $0x10  }
0xe0: {  	v13 =	vmul.f32 v8, v8;
	v6 =	vadd.s32 v10, v6;
	v10 =	vand.u32 $0x1, v12  }
0xe1: {  	v9 =	vadd.f32 v11, v9;
	v6 =	vadd.s32 $0x7FFF, v6;
	v7 =	vadd.s32 v10, v7  }
0xe2: {  	v10 =	vshrl.u32 v8, $0x10;
	v7 =	vadd.s32 $0x7FFF, v7  }
0xe3: {  	v10 =	vand.u32 $0x1, v10;
	v9 =	vadd.f32 v13, v9  }
0xe4: {  	v6 =	vand.u32 $0xFFFF0000, v6;
	v8 =	vadd.s32 v10, v8  }
0xe5: {  	v7 =	vand.u32 $0xFFFF0000, v7;
	v8 =	vadd.s32 $0x7FFF, v8;
	[tilespmem:s22+$0xFFFFFFF0] =	vst v9  }
0xe6: {  	[tilespmem:s14+$0xFFFFFFF0] =	vst v6;
	v6 =	vand.u32 $0xFFFF0000, v8  }
0xe7: {  	[tilespmem:s13+$0xFFFFFFF0] =	vst v7  }
0xe8: {  	[tilespmem:s24+$0xFFFFFFF0] =	vst v6;
	v6 =	vld [tilespmem:s24+$0x0]  }
0xe9: {  	v7 =	vld [tilespmem:s14+$0x0]  }
0xea: {  	v8 =	vld [tilespmem:s13+$0x0];
	_ =	sdelay $0x2  }
0xeb: {  	v9 =	vshrl.u32 v6, $0x10  }
0xec: {  	v11 =	vmul.f32 v6, v6;
	v10 =	vmul.f32 v7, v7;
	v12 =	vshrl.u32 v7, $0x10  }
0xed: {  	v13 =	vmul.f32 v8, v8;
	v12 =	vand.u32 $0x1, v12;
	v14 =	vshrl.u32 v8, $0x10  }
0xee: {  	v9 =	vand.u32 $0x1, v9;
	v7 =	vadd.s32 v12, v7;
	v12 =	vand.u32 $0x1, v14  }
0xef: {  	v10 =	vadd.f32 v13, v10;
	v7 =	vadd.s32 $0x7FFF, v7;
	v8 =	vadd.s32 v12, v8  }
0xf0: {  	v6 =	vadd.s32 v9, v6;
	v8 =	vadd.s32 $0x7FFF, v8  }
0xf1: {  	v6 =	vadd.s32 $0x7FFF, v6;
	v7 =	vand.u32 $0xFFFF0000, v7;
	v9 =	vadd.f32 v11, v10  }
0xf2: {  	v8 =	vand.u32 $0xFFFF0000, v8  }
0xf3: {  	v6 =	vand.u32 $0xFFFF0000, v6;
	[tilespmem:s22+$0x0] =	vst v9  }
0xf4: {  	[tilespmem:s14+$0x0] =	vst v7  }
0xf5: {  	[tilespmem:s13+$0x0] =	vst v8  }
0xf6: {  	[tilespmem:s24+$0x0] =	vst v6;
	v7 =	vld [tilespmem:s24+$0x10]  }
0xf7: {  	v6 =	vld [tilespmem:s14+$0x10]  }
0xf8: {  	v8 =	vld [tilespmem:s13+$0x10];
	_ =	sdelay $0x2  }
0xf9: {  	v9 =	vshrl.u32 v7, $0x10  }
0xfa: {  	v11 =	vmul.f32 v7, v7;
	v10 =	vmul.f32 v6, v6;
	v12 =	vshrl.u32 v6, $0x10  }
0xfb: {  	v13 =	vmul.f32 v8, v8;
	v12 =	vand.u32 $0x1, v12;
	v14 =	vshrl.u32 v8, $0x10  }
.Ltmp1:
0xfc: {  	v9 =	vand.u32 $0x1, v9;
	v6 =	vadd.s32 v12, v6;
	v12 =	vand.u32 $0x1, v14;
	(pc) =	sbr.rel @p0 .LBB2_4-.Ltmp1, $4  }
0xfd: {  	v10 =	vadd.f32 v13, v10;
	v6 =	vadd.s32 $0x7FFF, v6;
	v8 =	vadd.s32 v12, v8  }
0xfe: {  	v12 =	vadd.s32 v9, v7;
	v6 =	vand.u32 $0xFFFF0000, v6;
	v8 =	vadd.s32 $0x7FFF, v8  }
0xff: {  	v9 =	vadd.f32 v11, v10;
	v7 =	vand.u32 $0xFFFF0000, v8;
	v8 =	vadd.s32 $0x7FFF, v12  }
0x100: {  	s14 =	sadd.s32 $0x40, s14;
	s13 =	sadd.s32 $0x40, s13;
	v8 =	vand.u32 $0xFFFF0000, v8  }
0x101: {  	[tilespmem:s22+$0x10] =	vst v9  }
0x102: {  	[tilespmem:s21+$0x10] =	vst v6  }
0x103: {  	[tilespmem:s23+$0x10] =	vst v7  }
0x104: {  	[tilespmem:s1+$0x10] =	vst v8  }
0x105: {  	[tilespmem:$0x200] =	vst v4  }
0x106: {  	[tilespmem:$0x480] =	vst v4  }
0x107: {  	[tilespmem:$0x700] =	vst v4  }
0x108: {  	s22 =	simm.s32 $0x0;
	s21 =	simm.f32 $0.0e+00;
	[tilespmem:$0x980] =	vst v4  }
.LBB2_6:
0x109: {  	v6 =	vld.msk [tilespmem:s22+$0x0 ss:$0x0], $0xffff  }
0x10a: {  	v7 =	vld.msk [tilespmem:s22+$0x280 ss:$0x0], $0xffff;
	s0 =	simm.s32 $0x1A20  }
0x10b: {  	s1 =	simm.s32 $0xA20;
	v8 =	vld [tilespmem:s0+$0xFFFFFFE0]  }
0x10c: {  	v10 =	vld [tilespmem:s1+$0xFFFFFFE0]  }
0x10d: {  	v9 =	vld.msk [tilespmem:s22+$0x500 ss:$0x0], $0xffff;
	s13 =	simm.s32 $0x2A20  }
0x10e: {  	v11 =	vld [tilespmem:s13+$0xFFFFFFE0];
	_ =	sdelay $0x2  }
0x10f: {  	v10 =	vmul.f32 v10, v6;
	v12 =	vmul.f32 v8, v7;
	_ =	sdelay $0x1  }
0x110: {  	s23 =	simm.s32 $0x3A20;
	v8 =	vld [tilespmem:s22+$0x780];
	v11 =	vmul.f32 v11, v9;
	v10 =	vadd.f32 v12, v10  }
0x111: {  	v12 =	vld [tilespmem:s23+$0xFFFFFFE0]  }
0x112: {  	v10 =	vadd.f32 v11, v10;
	_ =	sdelay $0x1  }
0x113: {  	s24 =	simm.s32 $0x4A20;
	v11 =	vadd.f32 v10, v10  }
0x114: {  	v13 =	vld [tilespmem:s24+$0xFFFFFFE0]  }
0x115: {  	v10 =	vbroadcast v8, $0x0;
	v11 =	vsub.f32 v12, v11;
	_ =	sdelay $0x1  }
0x116: {  	v12 =	vadd.f32 v11, v10;
	_ =	sdelay $0x1  }
0x117: {  	v12 =	vmin.f32 v13, v12  }
0x118: {  	[tilespmem:s24+$0xFFFFFFE0] =	vst v12  }
0x119: {  	v12 =	vld [tilespmem:s1+$0xFFFFFFF0]  }
0x11a: {  	v13 =	vld [tilespmem:s0+$0xFFFFFFF0];
	_ =	sdelay $0x1  }
0x11b: {  	v14 =	vld [tilespmem:s13+$0xFFFFFFF0];
	_ =	sdelay $0x2  }
0x11c: {  	v12 =	vmul.f32 v12, v6;
	v13 =	vmul.f32 v13, v7;
	_ =	sdelay $0x1  }
0x11d: {  	v12 =	vadd.f32 v13, v12;
	v13 =	vmul.f32 v14, v9  }
0x11e: {  	v14 =	vld [tilespmem:s23+$0xFFFFFFF0]  }
0x11f: {  	v12 =	vadd.f32 v13, v12;
	_ =	sdelay $0x1  }
0x120: {  	v12 =	vadd.f32 v12, v12  }
0x121: {  	v13 =	vld [tilespmem:s24+$0xFFFFFFF0]  }
0x122: {  	v12 =	vsub.f32 v14, v12;
	_ =	sdelay $0x1  }
0x123: {  	v14 =	vadd.f32 v12, v10;
	_ =	sdelay $0x1  }
0x124: {  	v13 =	vmin.f32 v13, v14  }
0x125: {  	[tilespmem:s24+$0xFFFFFFF0] =	vst v13  }
0x126: {  	v13 =	vld [tilespmem:s1+$0x0]  }
0x127: {  	v14 =	vld [tilespmem:s0+$0x0];
	_ =	sdelay $0x1  }
0x128: {  	v15 =	vld [tilespmem:s13+$0x0];
	_ =	sdelay $0x2  }
0x129: {  	v13 =	vmul.f32 v13, v6;
	v14 =	vmul.f32 v14, v7;
	_ =	sdelay $0x1  }
0x12a: {  	v13 =	vadd.f32 v14, v13;
	v14 =	vmul.f32 v15, v9  }
0x12b: {  	v15 =	vld [tilespmem:s23+$0x0]  }
0x12c: {  	v13 =	vadd.f32 v14, v13;
	_ =	sdelay $0x1  }
0x12d: {  	v13 =	vadd.f32 v13, v13  }
0x12e: {  	v14 =	vld [tilespmem:s24+$0x0]  }
0x12f: {  	v13 =	vsub.f32 v15, v13;
	_ =	sdelay $0x1  }
0x130: {  	v15 =	vadd.f32 v13, v10;
	_ =	sdelay $0x1  }
0x131: {  	v14 =	vmin.f32 v14, v15  }
0x132: {  	[tilespmem:s24+$0x0] =	vst v14  }
0x133: {  	v14 =	vld [tilespmem:s1+$0x10]  }
0x134: {  	v15 =	vld [tilespmem:s0+$0x10];
	_ =	sdelay $0x1  }
0x135: {  	v16 =	vld [tilespmem:s13+$0x10];
	_ =	sdelay $0x2  }
0x136: {  	v14 =	vmul.f32 v14, v6;
	v15 =	vmul.f32 v15, v7;
	_ =	sdelay $0x1  }
0x137: {  	v16 =	vmul.f32 v16, v9;
	v14 =	vadd.f32 v15, v14  }
0x138: {  	v15 =	vld [tilespmem:s23+$0x10]  }
0x139: {  	v14 =	vadd.f32 v16, v14  }
0x13a: {  	v63 =	vimm.f32 $+Inf  }
0x13b: {  	v11 =	vmin.f32 v63, v11;
	v14 =	vadd.f32 v14, v14  }
0x13c: {  	s14 =	simm.s32 $0x1A60;
	s25 =	simm.s32 $0xA60;
	v11 =	vmin.f32 v11, v12;
	v12 =	vld [tilespmem:s24+$0x10]  }
0x13d: {  	v11 =	vmin.f32 v11, v13;
	s1 =	simm.s32 $0x0;
	s13 =	simm.s32 $0x2A60;
	s0 =	simm.s32 $0x4A20;
	v13 =	vsub.f32 v15, v14  }
.LBB2_7:
0x13e: {  	s1 =	sadd.s32 $0x4, s1;
	s24 =	sadd.s32 $0x40, s24;
	s23 =	sadd.s32 $0x40, s23  }
0x13f: {  	p0 =	slt.u32 s1, $0xFC;
	v11 =	vmin.f32 v11, v13;
	v13 =	vadd.f32 v13, v10;
	_ =	sdelay $0x1  }
0x140: {  	v12 =	vmin.f32 v12, v13  }
0x141: {  	[tilespmem:s0+$0x10] =	vst v12;
	s0 =	smov.u32 s24  }
0x142: {  	v12 =	vld [tilespmem:s14+$0xFFFFFFE0]  }
0x143: {  	v13 =	vld [tilespmem:s25+$0xFFFFFFE0];
	_ =	sdelay $0x1  }
0x144: {  	v14 =	vld [tilespmem:s13+$0xFFFFFFE0];
	_ =	sdelay $0x2  }
0x145: {  	v12 =	vmul.f32 v12, v7;
	v13 =	vmul.f32 v13, v6;
	_ =	sdelay $0x1  }
0x146: {  	v12 =	vadd.f32 v12, v13;
	v13 =	vmul.f32 v14, v9  }
0x147: {  	v14 =	vld [tilespmem:s23+$0xFFFFFFE0]  }
0x148: {  	v12 =	vadd.f32 v13, v12;
	_ =	sdelay $0x1  }
0x149: {  	v12 =	vadd.f32 v12, v12  }
0x14a: {  	v13 =	vld [tilespmem:s24+$0xFFFFFFE0]  }
0x14b: {  	v12 =	vsub.f32 v14, v12;
	_ =	sdelay $0x1  }
0x14c: {  	v14 =	vadd.f32 v12, v10;
	_ =	sdelay $0x1  }
0x14d: {  	v13 =	vmin.f32 v13, v14  }
0x14e: {  	[tilespmem:s24+$0xFFFFFFE0] =	vst v13  }
0x14f: {  	v13 =	vld [tilespmem:s25+$0xFFFFFFF0]  }
0x150: {  	v14 =	vld [tilespmem:s14+$0xFFFFFFF0];
	_ =	sdelay $0x1  }
0x151: {  	v15 =	vld [tilespmem:s13+$0xFFFFFFF0];
	_ =	sdelay $0x2  }
0x152: {  	v13 =	vmul.f32 v13, v6;
	v14 =	vmul.f32 v14, v7;
	_ =	sdelay $0x1  }
0x153: {  	v13 =	vadd.f32 v14, v13;
	v14 =	vmul.f32 v15, v9  }
0x154: {  	v15 =	vld [tilespmem:s23+$0xFFFFFFF0]  }
0x155: {  	v13 =	vadd.f32 v14, v13;
	_ =	sdelay $0x1  }
0x156: {  	v13 =	vadd.f32 v13, v13  }
0x157: {  	v14 =	vld [tilespmem:s24+$0xFFFFFFF0]  }
0x158: {  	v13 =	vsub.f32 v15, v13;
	_ =	sdelay $0x1  }
0x159: {  	v15 =	vadd.f32 v13, v10;
	_ =	sdelay $0x1  }
0x15a: {  	v14 =	vmin.f32 v14, v15  }
0x15b: {  	[tilespmem:s24+$0xFFFFFFF0] =	vst v14  }
0x15c: {  	v14 =	vld [tilespmem:s25+$0x0]  }
0x15d: {  	v15 =	vld [tilespmem:s14+$0x0];
	_ =	sdelay $0x1  }
0x15e: {  	v16 =	vld [tilespmem:s13+$0x0];
	_ =	sdelay $0x2  }
0x15f: {  	v14 =	vmul.f32 v14, v6;
	v15 =	vmul.f32 v15, v7;
	_ =	sdelay $0x1  }
0x160: {  	v14 =	vadd.f32 v15, v14;
	v15 =	vmul.f32 v16, v9  }
0x161: {  	v16 =	vld [tilespmem:s23+$0x0]  }
0x162: {  	v14 =	vadd.f32 v15, v14;
	_ =	sdelay $0x1  }
0x163: {  	v14 =	vadd.f32 v14, v14  }
0x164: {  	v15 =	vld [tilespmem:s24+$0x0]  }
0x165: {  	v11 =	vmin.f32 v11, v12;
	v12 =	vsub.f32 v16, v14  }
0x166: {  	v11 =	vmin.f32 v11, v13  }
0x167: {  	v11 =	vmin.f32 v11, v12;
	v12 =	vadd.f32 v12, v10;
	_ =	sdelay $0x1  }
0x168: {  	v12 =	vmin.f32 v15, v12  }
0x169: {  	[tilespmem:s24+$0x0] =	vst v12  }
0x16a: {  	v12 =	vld [tilespmem:s25+$0x10]  }
0x16b: {  	v13 =	vld [tilespmem:s14+$0x10]  }
0x16c: {  	v14 =	vld [tilespmem:s13+$0x10]  }
0x16d: {  	v15 =	vld [tilespmem:s23+$0x10];
	_ =	sdelay $0x1  }
0x16e: {  	v12 =	vmul.f32 v12, v6  }
0x16f: {  	v13 =	vmul.f32 v13, v7  }
0x170: {  	v14 =	vmul.f32 v14, v9  }
0x171: {  	v12 =	vadd.f32 v13, v12;
	_ =	sdelay $0x1  }
.Ltmp2:
0x172: {  	v12 =	vadd.f32 v14, v12;
	(pc) =	sbr.rel @p0 .LBB2_7-.Ltmp2, $3  }
0x173: {  	_ = 	snop  }
0x174: {  	v13 =	vadd.f32 v12, v12;
	v12 =	vld [tilespmem:s24+$0x10];
	_ =	sdelay $0x1  }
0x175: {  	s25 =	sadd.s32 $0x40, s25;
	s14 =	sadd.s32 $0x40, s14;
	s13 =	sadd.s32 $0x40, s13;
	v13 =	vsub.f32 v15, v13  }
0x176: {  	_ = 	snop  }
0x177: {  	v6 =	vmin.f32 v11, v13  }
0x178: {  	v7 =	vperm.xlane v6, v0;
	_ =	sdelay $0x1  }
0x179: {  	v6 =	vmin.f32 v6, v7  }
0x17a: {  	v7 =	vperm.xlane v6, v1;
	_ =	sdelay $0x1  }
0x17b: {  	v6 =	vmin.f32 v6, v7  }
0x17c: {  	v7 =	vperm.xlane v6, v3;
	_ =	sdelay $0x1  }
0x17d: {  	v6 =	vmin.f32 v6, v7  }
0x17e: {  	v7 =	vperm.xlane v6, v5;
	_ =	sdelay $0x1  }
0x17f: {  	(v2sf) =	vpush v8, $0x0;
	v6 =	vmin.f32 v6, v7  }
0x180: {  	(v2sf) =	vpush v6, $0x0;
	_ =	sdelay $0xb  }
0x181: {  	s22 =	sadd.s32 $0x1, s22  }
0x182: {  	p0 =	sne.s32 s22, $0x200  }
.Ltmp3:
0x183: {  	s1 =	spop (v2sf);
	(pc) =	sbr.rel @p0 .LBB2_6-.Ltmp3, $4  }
0x184: {  	v6 =	vadd.f32 v13, v10;
	s13 =	spop (v2sf)  }
0x185: {  	s1 =	sadd.f32 s13, s1  }
0x186: {  	v6 =	vmin.f32 v12, v6  }
0x187: {  	[tilespmem:s0+$0x10] =	vst v6;
	s21 =	sadd.f32 s1, s21  }
0x188: {  	_ = 	snop  }
0x189: {  	v6 =	vmov s21  }
0x18a: {  	v6 =	vnsel vm0, $0x0, v6  }
0x18b: {  	[tilespmem:$0x5A00] =	vst v6  }
0x18c: {  	[hbm4b:s9+s2] =	stream.linear.scatter [tilespmem:s18], [sflag:$0x1], $0x10, $0x38;
	[tilespmem:$0x5A80] =	vst v63  }
0x18d: {  	s20 =	sadd.s32 $0x1, s20;
	_ =	swait.ge [sflag:s12], $0x10  }
0x18e: {  	p0 =	sne.s32 s20, s11;
	[sflag:s12] =	ssyncset.done $0x0  }
.Ltmp4:
0x18f: {  	[sflag:s12] =	ssyncadd.s32 $0xFFFFFFF0;
	(pc) =	sbr.rel @p0 .LBB2_1-.Ltmp4, $4  }
0x190: {  	[hbm4b:s10+s2] =	stream.linear.scatter [tilespmem:s19], [sflag:$0x1], $0x1000, $0x38;
	[tilespmem:$0x5A80] =	vst v63  }
0x191: {  	_ =	swait.ge [sflag:s12], $0x1000  }
0x192: {  	[sflag:s12] =	ssyncset.done $0x0  }
0x193: {  	[sflag:s12] =	ssyncadd.s32 $0xFFFFF000  }
0x194: {  	_ =	sfence.sel $0x180000  }
0x195: {  	[bflag:$0x0] =	sbarrier.arrive $0xFFFF  }
0x196: {  	_ =	strace $0x90000047  }
0x197: {  	s0 =	stileid.u32;
	[bflag:$0x2] =	sbarrier.arrive $0xFFFF  }
0x198: {  	p0 =	sne.s32 s0, $0x0;
	s0 =	rddreg [dreg:$0x1]  }
0x199: {  	s0 =	sadd.s32 @!p0 $0x100000, s0  }
0x19a: {  	[sflag:s0] =	ssyncadd.tile.s32 @!p0 $0x1;
	_ =	shalt  }
.Lfunc_end2:
_tile_overlayer_lowered:
.L_overlay_start_2:
0x19b: {  	(tag) =	ssettag $0x2  }
0x19c: {  	s0 =	rddreg [dreg:$0x0];
	s2 =	stileid.u32  }
0x19d: {  	s1 =	rddreg [dreg:$0x1];
	p0 =	sne.s32 s2, $0x0  }
0x19e: {  	s3 =	rddreg [dreg:$0x2];
	[bflag:$0x3] =	sbarrier.arrive $0xFFFF;
	s2 =	simm.s32 @!p0 $0x1C01  }
0x19f: {  	[timem:s3], [sflag:s2] =	dma.local @!p0 [hbm:s0], s1  }
0x1a0: {  	s0 =	simm.s32 @!p0 $0x1  }
0x1a1: {  	_ =	swait.ge @!p0 [sflag:s0], s1  }
0x1a2: {  	s1 =	ssub.s32 @!p0 $0x0, s1;
	[sflag:s0] =	ssyncset.done @!p0 $0x0  }
0x1a3: {  	[sflag:s0] =	ssyncadd.s32 @!p0 s1  }
0x1a4: {  	[bflag:$0x3] =	sbarrier.arrive $0xFFFF  }
0x1a5: {  	_ =	shalt  }

</sc_bundles>
